<compile_context>
chip_gen: v7x
topology: tpu7x:2x2x1
jax: 0.10.2.dev20260603
libtpu: 0.0.44.dev20260713+nightly
codegen_flags: <defaults>
</compile_context>

<pallas_src>
import functools

import jax
import jax.numpy as jnp
from jax import lax
from jax.experimental import pallas as pl
from jax.experimental.pallas import tpu as pltpu
from jax.experimental.pallas import tpu_sc as plsc

DIM = 64
NC = 2
NS = 16
NW = NC * NS
BLK = 128
NGBUF = 4
NOBUF = 2


def _make_gather(L, B):
    assert B % (NW * BLK) == 0 and B // NW == BLK
    assert L % NGBUF == 0
    mesh = plsc.VectorSubcoreMesh(core_axis_name="c", subcore_axis_name="s")

    @functools.partial(
        pl.kernel,
        mesh=mesh,
        out_type=jax.ShapeDtypeStruct((L, DIM, B), jnp.float32),
        compiler_params=pltpu.CompilerParams(
            use_tc_tiling_on_sc=False, needs_layout_passes=False
        ),
        scratch_types=[
            pltpu.VMEM((L, BLK), jnp.int32),
            pltpu.VMEM((NGBUF, BLK, DIM), jnp.float32),
            pltpu.VMEM((NOBUF, DIM, BLK + 1), jnp.float32),
            pltpu.SemaphoreType.DMA,
            pltpu.SemaphoreType.DMA,
            pltpu.SemaphoreType.DMA,
            pltpu.SemaphoreType.DMA,
            pltpu.SemaphoreType.DMA,
            pltpu.SemaphoreType.DMA,
        ],
    )
    def gather_kernel(idx_hbm, table_hbm, out_hbm, idx_v, rows_v, stage_v,
                      g0, g1, g2, g3, o0, o1):
        gsem = (g0, g1, g2, g3)
        osem = (o0, o1)
        wid = lax.axis_index("s") * NC + lax.axis_index("c")
        b0 = wid * BLK

        pltpu.sync_copy(idx_hbm.at[:, pl.ds(b0, BLK)], idx_v)

        def fire_gather(l, p):
            return pltpu.async_copy(
                table_hbm.at[idx_v.at[l]], rows_v.at[p], gsem[p]
            )

        for p in range(NGBUF):
            fire_gather(p, p)

        lane = lax.iota(jnp.int32, 16)
        rids = [lane + (16 * ib) for ib in range(BLK // 16)]

        def body(g, carry):
            for l in range(NGBUF):
                labs = g * NGBUF + l
                p = l
                q = l % NOBUF

                pltpu.make_async_copy(
                    table_hbm.at[idx_v.at[labs]], rows_v.at[p], gsem[p]
                ).wait()

                @pl.when(jnp.logical_or(l >= NOBUF, g > 0))
                def _drain_out():
                    pltpu.make_async_copy(
                        stage_v.at[q, :, pl.ds(0, BLK)],
                        out_hbm.at[labs, :, pl.ds(b0, BLK)], osem[q],
                    ).wait()

                @plsc.parallel_loop(0, BLK, unroll=8)
                def _row(i):
                    iv = jnp.full((16,), i, jnp.int32)
                    for j in range(DIM // 16):
                        vec = rows_v[p, i, pl.ds(16 * j, 16)]
                        plsc.store_scatter(stage_v.at[q], [rids[j], iv], vec)

                pltpu.async_copy(
                    stage_v.at[q, :, pl.ds(0, BLK)],
                    out_hbm.at[labs, :, pl.ds(b0, BLK)], osem[q]
                )

                @pl.when(labs + NGBUF < L)
                def _refill():
                    fire_gather(labs + NGBUF, p)
            return carry

        lax.fori_loop(0, L // NGBUF, body, 0)
        for q in range(NOBUF):
            pltpu.make_async_copy(
                stage_v.at[q, :, pl.ds(0, BLK)],
                out_hbm.at[0, :, pl.ds(b0, BLK)], osem[q]
            ).wait()

    return gather_kernel


def kernel(input, weight):
    B, L = input.shape
    idx_t = input.T.astype(jnp.int32)
    out_t = _make_gather(L, B)(idx_t, weight)
    return jnp.transpose(out_t, (2, 0, 1))

# --- scband reference (transcript-rebuilt; emitter-appended) ---
"""Pipeline reference for scband-static-embedding-28853590295110 (READ-ONLY COPY).

The authoritative reference and input builder live on the scoring server;
editing this copy changes nothing except your own understanding.
"""

import jax, jax.numpy as jnp
import numpy as np

VOCAB = 1000000
DIM = 64
B = 4096
L = 200

def setup_inputs(seed: int = 0) -> dict:
    key = jax.random.key(seed)
    k_idx, k_w = jax.random.split(key)
    input = jax.random.randint(k_idx, (B, L), 0, VOCAB, dtype=jnp.int64 if jax.config.jax_enable_x64 else jnp.int32)
    weight = jax.random.normal(k_w, (VOCAB, DIM), dtype=jnp.float32)
    return {"input": input, "weight": weight}

def reference(input, weight):
    # StaticEmbedding.forward: nn.Embedding lookup -> table gather
    return jnp.take(weight, input, axis=0)

if __name__ == "__main__":
    import jax
    _d = setup_inputs()
    print(jax.jit(kernel)(*tuple(_d.values())))

</pallas_src>

<mosaic_0001>
#map = affine_map<(d0, d1) -> (0, 0)>
#map1 = affine_map<(d0, d1) -> (0, 0, 0)>
module attributes {stable_mosaic.version = 14 : i64} {
  func.func @gather_kernel(%arg0: i32, %arg1: i32, %arg2: memref<200x4096xi32, #tpu.memory_space<hbm>>, %arg3: memref<1000000x64xf32, #tpu.memory_space<hbm>>, %arg4: memref<200x64x4096xf32, #tpu.memory_space<hbm>>, %arg5: memref<200x128xi32, #tpu.memory_space<vmem>>, %arg6: memref<4x128x64xf32, #tpu.memory_space<vmem>>, %arg7: memref<2x64x129xf32, #tpu.memory_space<vmem>>, %arg8: memref<!tpu.dma_semaphore, #tpu.memory_space<semaphore_mem>>, %arg9: memref<!tpu.dma_semaphore, #tpu.memory_space<semaphore_mem>>, %arg10: memref<!tpu.dma_semaphore, #tpu.memory_space<semaphore_mem>>, %arg11: memref<!tpu.dma_semaphore, #tpu.memory_space<semaphore_mem>>, %arg12: memref<!tpu.dma_semaphore, #tpu.memory_space<semaphore_mem>>, %arg13: memref<!tpu.dma_semaphore, #tpu.memory_space<semaphore_mem>>) attributes {dimension_semantics = [#tpu.dimension_semantics<core_parallel>, #tpu.dimension_semantics<subcore_parallel>], iteration_bounds = array<i64: 2, 16>, scalar_prefetch = 0 : i64, scratch_operands = 9 : i64, tpu.core_type = #tpu.core_type<sc_vector_subcore>, window_params = [{transform_indices = #map}, {transform_indices = #map}, {transform_indices = #map1}]} {
    %mul3A = arith.constant 2 : i32
    %mul3A_0 = arith.muli %arg1, %mul3A : i32
    %add3A = arith.addi %mul3A_0, %arg0 : i32
    %mul3A_1 = arith.constant 128 : i32
    %mul3A_2 = arith.muli %add3A, %mul3A_1 : i32
    "tpu.region"() ({
      %run_scoped3A = tpu.sem_alloc : memref<!tpu.dma_semaphore, #tpu.memory_space<semaphore_mem>>
      %dma_start3A_110 = arith.constant 0 : i32
      %dma_start3A_111 = tpu.memref_slice %arg2[%dma_start3A_110, %mul3A_2] : memref<200x4096xi32, #tpu.memory_space<hbm>> -> memref<200x128xi32, #tpu.memory_space<hbm>>
      %dma_start3A_112 = arith.constant 0 : i32
      %dma_start3A_113 = tpu.memref_slice %arg2[%dma_start3A_112, %mul3A_2] : memref<200x4096xi32, #tpu.memory_space<hbm>> -> memref<200x128xi32, #tpu.memory_space<hbm>>
      tpu.enqueue_dma source(%dma_start3A_113 : memref<200x128xi32, #tpu.memory_space<hbm>>) target(%arg5 : memref<200x128xi32, #tpu.memory_space<vmem>>) target_semaphore(%run_scoped3A : memref<!tpu.dma_semaphore, #tpu.memory_space<semaphore_mem>>)
      %dma_wait3A_114 = arith.constant 0 : i32
      %dma_wait3A_115 = tpu.memref_slice %arg2[%dma_wait3A_114, %mul3A_2] : memref<200x4096xi32, #tpu.memory_space<hbm>> -> memref<200x128xi32, #tpu.memory_space<hbm>>
      %dma_wait3A_116 = arith.constant 0 : i32
      %dma_wait3A_117 = tpu.memref_slice %arg2[%dma_wait3A_116, %mul3A_2] : memref<200x4096xi32, #tpu.memory_space<hbm>> -> memref<200x128xi32, #tpu.memory_space<hbm>>
      tpu.wait_dma2 semaphore(%run_scoped3A : memref<!tpu.dma_semaphore, #tpu.memory_space<semaphore_mem>>) src(%dma_wait3A_117 : memref<200x128xi32, #tpu.memory_space<hbm>>) dst(%arg5 : memref<200x128xi32, #tpu.memory_space<vmem>>)
      tpu.yield
    }) : () -> ()
    %dma_start3A = arith.constant 0 : i32
    %dma_start3A_3 = arith.constant 0 : i32
    %dma_start3A_4 = arith.constant 0 : i32
    %dma_start3A_5 = arith.constant 0 : i32
    %dma_start3A_6 = tpu.memref_slice %arg6[%dma_start3A_3, %dma_start3A_4, %dma_start3A_5] : memref<4x128x64xf32, #tpu.memory_space<vmem>> -> memref<1x128x64xf32, #tpu.memory_space<vmem>>
    %dma_start3A_7 = tpu.memref_squeeze %dma_start3A_6 : memref<1x128x64xf32, #tpu.memory_space<vmem>> -> memref<128x64xf32, #tpu.memory_space<vmem>>
    %dma_start3A_8 = arith.constant 0 : i32
    %dma_start3A_9 = tpu.memref_slice %arg5[%dma_start3A, %dma_start3A_8] : memref<200x128xi32, #tpu.memory_space<vmem>> -> memref<1x128xi32, #tpu.memory_space<vmem>>
    %dma_start3A_10 = tpu.memref_squeeze %dma_start3A_9 : memref<1x128xi32, #tpu.memory_space<vmem>> -> memref<128xi32, #tpu.memory_space<vmem>>
    %dma_start3A_11 = arith.constant 0 : i32
    %dma_start3A_12 = arith.constant 0 : i32
    %dma_start3A_13 = tpu.memref_slice %arg3[%dma_start3A_11, %dma_start3A_12] : memref<1000000x64xf32, #tpu.memory_space<hbm>> -> memref<1000000x64xf32, #tpu.memory_space<hbm>>
    tpu.enqueue_indirect_dma source(%dma_start3A_13 : memref<1000000x64xf32, #tpu.memory_space<hbm>>) target(%dma_start3A_7 : memref<128x64xf32, #tpu.memory_space<vmem>>) offsets(%dma_start3A_10 : memref<128xi32, #tpu.memory_space<vmem>>) semaphore(%arg8 : memref<!tpu.dma_semaphore, #tpu.memory_space<semaphore_mem>>)
    %dma_start3A_14 = arith.constant 1 : i32
    %dma_start3A_15 = arith.constant 1 : i32
    %dma_start3A_16 = arith.constant 0 : i32
    %dma_start3A_17 = arith.constant 0 : i32
    %dma_start3A_18 = tpu.memref_slice %arg6[%dma_start3A_15, %dma_start3A_16, %dma_start3A_17] : memref<4x128x64xf32, #tpu.memory_space<vmem>> -> memref<1x128x64xf32, #tpu.memory_space<vmem>>
    %dma_start3A_19 = tpu.memref_squeeze %dma_start3A_18 : memref<1x128x64xf32, #tpu.memory_space<vmem>> -> memref<128x64xf32, #tpu.memory_space<vmem>>
    %dma_start3A_20 = arith.constant 0 : i32
    %dma_start3A_21 = tpu.memref_slice %arg5[%dma_start3A_14, %dma_start3A_20] : memref<200x128xi32, #tpu.memory_space<vmem>> -> memref<1x128xi32, #tpu.memory_space<vmem>>
    %dma_start3A_22 = tpu.memref_squeeze %dma_start3A_21 : memref<1x128xi32, #tpu.memory_space<vmem>> -> memref<128xi32, #tpu.memory_space<vmem>>
    %dma_start3A_23 = arith.constant 0 : i32
    %dma_start3A_24 = arith.constant 0 : i32
    %dma_start3A_25 = tpu.memref_slice %arg3[%dma_start3A_23, %dma_start3A_24] : memref<1000000x64xf32, #tpu.memory_space<hbm>> -> memref<1000000x64xf32, #tpu.memory_space<hbm>>
    tpu.enqueue_indirect_dma source(%dma_start3A_25 : memref<1000000x64xf32, #tpu.memory_space<hbm>>) target(%dma_start3A_19 : memref<128x64xf32, #tpu.memory_space<vmem>>) offsets(%dma_start3A_22 : memref<128xi32, #tpu.memory_space<vmem>>) semaphore(%arg9 : memref<!tpu.dma_semaphore, #tpu.memory_space<semaphore_mem>>)
    %dma_start3A_26 = arith.constant 2 : i32
    %dma_start3A_27 = arith.constant 2 : i32
    %dma_start3A_28 = arith.constant 0 : i32
    %dma_start3A_29 = arith.constant 0 : i32
    %dma_start3A_30 = tpu.memref_slice %arg6[%dma_start3A_27, %dma_start3A_28, %dma_start3A_29] : memref<4x128x64xf32, #tpu.memory_space<vmem>> -> memref<1x128x64xf32, #tpu.memory_space<vmem>>
    %dma_start3A_31 = tpu.memref_squeeze %dma_start3A_30 : memref<1x128x64xf32, #tpu.memory_space<vmem>> -> memref<128x64xf32, #tpu.memory_space<vmem>>
    %dma_start3A_32 = arith.constant 0 : i32
    %dma_start3A_33 = tpu.memref_slice %arg5[%dma_start3A_26, %dma_start3A_32] : memref<200x128xi32, #tpu.memory_space<vmem>> -> memref<1x128xi32, #tpu.memory_space<vmem>>
    %dma_start3A_34 = tpu.memref_squeeze %dma_start3A_33 : memref<1x128xi32, #tpu.memory_space<vmem>> -> memref<128xi32, #tpu.memory_space<vmem>>
    %dma_start3A_35 = arith.constant 0 : i32
    %dma_start3A_36 = arith.constant 0 : i32
    %dma_start3A_37 = tpu.memref_slice %arg3[%dma_start3A_35, %dma_start3A_36] : memref<1000000x64xf32, #tpu.memory_space<hbm>> -> memref<1000000x64xf32, #tpu.memory_space<hbm>>
    tpu.enqueue_indirect_dma source(%dma_start3A_37 : memref<1000000x64xf32, #tpu.memory_space<hbm>>) target(%dma_start3A_31 : memref<128x64xf32, #tpu.memory_space<vmem>>) offsets(%dma_start3A_34 : memref<128xi32, #tpu.memory_space<vmem>>) semaphore(%arg10 : memref<!tpu.dma_semaphore, #tpu.memory_space<semaphore_mem>>)
    %dma_start3A_38 = arith.constant 3 : i32
    %dma_start3A_39 = arith.constant 3 : i32
    %dma_start3A_40 = arith.constant 0 : i32
    %dma_start3A_41 = arith.constant 0 : i32
    %dma_start3A_42 = tpu.memref_slice %arg6[%dma_start3A_39, %dma_start3A_40, %dma_start3A_41] : memref<4x128x64xf32, #tpu.memory_space<vmem>> -> memref<1x128x64xf32, #tpu.memory_space<vmem>>
    %dma_start3A_43 = tpu.memref_squeeze %dma_start3A_42 : memref<1x128x64xf32, #tpu.memory_space<vmem>> -> memref<128x64xf32, #tpu.memory_space<vmem>>
    %dma_start3A_44 = arith.constant 0 : i32
    %dma_start3A_45 = tpu.memref_slice %arg5[%dma_start3A_38, %dma_start3A_44] : memref<200x128xi32, #tpu.memory_space<vmem>> -> memref<1x128xi32, #tpu.memory_space<vmem>>
    %dma_start3A_46 = tpu.memref_squeeze %dma_start3A_45 : memref<1x128xi32, #tpu.memory_space<vmem>> -> memref<128xi32, #tpu.memory_space<vmem>>
    %dma_start3A_47 = arith.constant 0 : i32
    %dma_start3A_48 = arith.constant 0 : i32
    %dma_start3A_49 = tpu.memref_slice %arg3[%dma_start3A_47, %dma_start3A_48] : memref<1000000x64xf32, #tpu.memory_space<hbm>> -> memref<1000000x64xf32, #tpu.memory_space<hbm>>
    tpu.enqueue_indirect_dma source(%dma_start3A_49 : memref<1000000x64xf32, #tpu.memory_space<hbm>>) target(%dma_start3A_43 : memref<128x64xf32, #tpu.memory_space<vmem>>) offsets(%dma_start3A_46 : memref<128xi32, #tpu.memory_space<vmem>>) semaphore(%arg11 : memref<!tpu.dma_semaphore, #tpu.memory_space<semaphore_mem>>)
    %iota3A = tpu.iota {dimensions = array<i32: 0>} : vector<16xi32>
    %add3A_50 = arith.constant 0 : i32
    %add3A_51 = vector.broadcast %add3A_50 : i32 to vector<16xi32>
    %add3A_52 = arith.addi %iota3A, %add3A_51 : vector<16xi32>
    %add3A_53 = arith.constant 16 : i32
    %add3A_54 = vector.broadcast %add3A_53 : i32 to vector<16xi32>
    %add3A_55 = arith.addi %iota3A, %add3A_54 : vector<16xi32>
    %add3A_56 = arith.constant 32 : i32
    %add3A_57 = vector.broadcast %add3A_56 : i32 to vector<16xi32>
    %add3A_58 = arith.addi %iota3A, %add3A_57 : vector<16xi32>
    %add3A_59 = arith.constant 48 : i32
    %add3A_60 = vector.broadcast %add3A_59 : i32 to vector<16xi32>
    %add3A_61 = arith.addi %iota3A, %add3A_60 : vector<16xi32>
    %add3A_62 = arith.constant 64 : i32
    %add3A_63 = vector.broadcast %add3A_62 : i32 to vector<16xi32>
    %add3A_64 = arith.addi %iota3A, %add3A_63 : vector<16xi32>
    %add3A_65 = arith.constant 80 : i32
    %add3A_66 = vector.broadcast %add3A_65 : i32 to vector<16xi32>
    %add3A_67 = arith.addi %iota3A, %add3A_66 : vector<16xi32>
    %add3A_68 = arith.constant 96 : i32
    %add3A_69 = vector.broadcast %add3A_68 : i32 to vector<16xi32>
    %add3A_70 = arith.addi %iota3A, %add3A_69 : vector<16xi32>
    %add3A_71 = arith.constant 112 : i32
    %add3A_72 = vector.broadcast %add3A_71 : i32 to vector<16xi32>
    %add3A_73 = arith.addi %iota3A, %add3A_72 : vector<16xi32>
    %scan3A = arith.constant 0 : i32
    %scan3A_74 = arith.constant 0 : i32
    %scan3A_75 = arith.constant 50 : i32
    %scan3A_76 = arith.addi %scan3A_74, %scan3A_75 : i32
    %scan3A_77 = arith.constant 1 : i32
    scf.for %scan3A_110 = %scan3A_74 to %scan3A_76 step %scan3A_77  : i32 {
      %mul3A_111 = arith.constant 4 : i32
      %mul3A_112 = arith.muli %scan3A_110, %mul3A_111 : i32
      %add3A_113 = arith.constant 0 : i32
      %add3A_114 = arith.addi %mul3A_112, %add3A_113 : i32
      %dma_wait3A_115 = arith.constant 0 : i32
      %dma_wait3A_116 = arith.constant 0 : i32
      %dma_wait3A_117 = arith.constant 0 : i32
      %dma_wait3A_118 = tpu.memref_slice %arg6[%dma_wait3A_115, %dma_wait3A_116, %dma_wait3A_117] : memref<4x128x64xf32, #tpu.memory_space<vmem>> -> memref<1x128x64xf32, #tpu.memory_space<vmem>>
      %dma_wait3A_119 = tpu.memref_squeeze %dma_wait3A_118 : memref<1x128x64xf32, #tpu.memory_space<vmem>> -> memref<128x64xf32, #tpu.memory_space<vmem>>
      %dma_wait3A_120 = arith.constant 0 : i32
      %dma_wait3A_121 = tpu.memref_slice %arg5[%add3A_114, %dma_wait3A_120] : memref<200x128xi32, #tpu.memory_space<vmem>> -> memref<1x128xi32, #tpu.memory_space<vmem>>
      %dma_wait3A_122 = tpu.memref_squeeze %dma_wait3A_121 : memref<1x128xi32, #tpu.memory_space<vmem>> -> memref<128xi32, #tpu.memory_space<vmem>>
      %dma_wait3A_123 = arith.constant 0 : i32
      %dma_wait3A_124 = arith.constant 0 : i32
      %dma_wait3A_125 = tpu.memref_slice %arg3[%dma_wait3A_123, %dma_wait3A_124] : memref<1000000x64xf32, #tpu.memory_space<hbm>> -> memref<1000000x64xf32, #tpu.memory_space<hbm>>
      tpu.wait_indirect_dma semaphore(%arg8 : memref<!tpu.dma_semaphore, #tpu.memory_space<semaphore_mem>>) src(%dma_wait3A_125 : memref<1000000x64xf32, #tpu.memory_space<hbm>>) dst(%dma_wait3A_119 : memref<128x64xf32, #tpu.memory_space<vmem>>)
      %gt3A = arith.constant 0 : i32
      %gt3A_126 = arith.cmpi sgt, %scan3A_110, %gt3A : i32
      %or3A = arith.constant false
      %or3A_127 = arith.ori %or3A, %gt3A_126 : i1
      %convert_element_type3A = arith.extui %or3A_127 : i1 to i32
      %cond3A = arith.constant 0 : i32
      %cond3A_128 = arith.cmpi ne, %convert_element_type3A, %cond3A : i32
      scf.if %cond3A_128 {
        %dma_wait3A_293 = arith.constant 0 : i32
        %dma_wait3A_294 = arith.constant 0 : i32
        %dma_wait3A_295 = arith.constant 0 : i32
        %dma_wait3A_296 = tpu.memref_slice %arg7[%dma_wait3A_293, %dma_wait3A_294, %dma_wait3A_295] : memref<2x64x129xf32, #tpu.memory_space<vmem>> -> memref<1x64x128xf32, #tpu.memory_space<vmem>>
        %dma_wait3A_297 = tpu.memref_squeeze %dma_wait3A_296 : memref<1x64x128xf32, #tpu.memory_space<vmem>> -> memref<64x128xf32, #tpu.memory_space<vmem>>
        %dma_wait3A_298 = arith.constant 0 : i32
        %dma_wait3A_299 = tpu.memref_slice %arg4[%add3A_114, %dma_wait3A_298, %mul3A_2] : memref<200x64x4096xf32, #tpu.memory_space<hbm>> -> memref<1x64x128xf32, #tpu.memory_space<hbm>>
        %dma_wait3A_300 = tpu.memref_squeeze %dma_wait3A_299 : memref<1x64x128xf32, #tpu.memory_space<hbm>> -> memref<64x128xf32, #tpu.memory_space<hbm>>
        %dma_wait3A_301 = arith.constant 0 : i32
        %dma_wait3A_302 = tpu.memref_slice %arg4[%add3A_114, %dma_wait3A_301, %mul3A_2] : memref<200x64x4096xf32, #tpu.memory_space<hbm>> -> memref<1x64x128xf32, #tpu.memory_space<hbm>>
        %dma_wait3A_303 = tpu.memref_squeeze %dma_wait3A_302 : memref<1x64x128xf32, #tpu.memory_space<hbm>> -> memref<64x128xf32, #tpu.memory_space<hbm>>
        %dma_wait3A_304 = arith.constant 0 : i32
        %dma_wait3A_305 = arith.constant 0 : i32
        %dma_wait3A_306 = tpu.memref_slice %arg7[%dma_wait3A_293, %dma_wait3A_304, %dma_wait3A_305] : memref<2x64x129xf32, #tpu.memory_space<vmem>> -> memref<1x64x128xf32, #tpu.memory_space<vmem>>
        %dma_wait3A_307 = tpu.memref_squeeze %dma_wait3A_306 : memref<1x64x128xf32, #tpu.memory_space<vmem>> -> memref<64x128xf32, #tpu.memory_space<vmem>>
        tpu.wait_dma2 semaphore(%arg12 : memref<!tpu.dma_semaphore, #tpu.memory_space<semaphore_mem>>) src(%dma_wait3A_307 : memref<64x128xf32, #tpu.memory_space<vmem>>) dst(%dma_wait3A_303 : memref<64x128xf32, #tpu.memory_space<hbm>>)
      } else {
      }
      %parallel_loop3A = arith.constant 0 : i32
      %parallel_loop3A_129 = arith.constant 128 : i32
      %parallel_loop3A_130 = arith.constant 1 : i32
      scf.for %parallel_loop3A_293 = %parallel_loop3A to %parallel_loop3A_129 step %parallel_loop3A_130  : i32 {
        %parallel_loop3A_294 = vector.broadcast %parallel_loop3A_293 : i32 to vector<16xi32>
        %parallel_loop3A_295 = arith.constant 0 : i32
        %parallel_loop3A_296 = arith.index_cast %parallel_loop3A_295 : i32 to index
        %parallel_loop3A_297 = arith.index_cast %parallel_loop3A_293 : i32 to index
        %parallel_loop3A_298 = arith.constant 0 : index
        %parallel_loop3A_299 = tpu.vector_load %arg6[%parallel_loop3A_296, %parallel_loop3A_297, %parallel_loop3A_298] {strides = array<i32>} : memref<4x128x64xf32, #tpu.memory_space<vmem>>, vector<16xf32>,
        %parallel_loop3A_300 = arith.constant 0 : i32
        %parallel_loop3A_301 = arith.constant 0 : i32
        %parallel_loop3A_302 = arith.constant 0 : i32
        %parallel_loop3A_303 = tpu.memref_slice %arg7[%parallel_loop3A_300, %parallel_loop3A_301, %parallel_loop3A_302] : memref<2x64x129xf32, #tpu.memory_space<vmem>> -> memref<1x64x129xf32, #tpu.memory_space<vmem>>
        %parallel_loop3A_304 = tpu.memref_squeeze %parallel_loop3A_303 : memref<1x64x129xf32, #tpu.memory_space<vmem>> -> memref<64x129xf32, #tpu.memory_space<vmem>>
        tpu.vector_store_idx %parallel_loop3A_304[%add3A_52, %parallel_loop3A_294], %parallel_loop3A_299 : memref<64x129xf32, #tpu.memory_space<vmem>>[vector<16xi32>, vector<16xi32>], vector<16xf32>,
        %parallel_loop3A_305 = arith.constant 0 : i32
        %parallel_loop3A_306 = arith.index_cast %parallel_loop3A_305 : i32 to index
        %parallel_loop3A_307 = arith.index_cast %parallel_loop3A_293 : i32 to index
        %parallel_loop3A_308 = arith.constant 16 : index
        %parallel_loop3A_309 = tpu.vector_load %arg6[%parallel_loop3A_306, %parallel_loop3A_307, %parallel_loop3A_308] {strides = array<i32>} : memref<4x128x64xf32, #tpu.memory_space<vmem>>, vector<16xf32>,
        %parallel_loop3A_310 = arith.constant 0 : i32
        %parallel_loop3A_311 = arith.constant 0 : i32
        %parallel_loop3A_312 = arith.constant 0 : i32
        %parallel_loop3A_313 = tpu.memref_slice %arg7[%parallel_loop3A_310, %parallel_loop3A_311, %parallel_loop3A_312] : memref<2x64x129xf32, #tpu.memory_space<vmem>> -> memref<1x64x129xf32, #tpu.memory_space<vmem>>
        %parallel_loop3A_314 = tpu.memref_squeeze %parallel_loop3A_313 : memref<1x64x129xf32, #tpu.memory_space<vmem>> -> memref<64x129xf32, #tpu.memory_space<vmem>>
        tpu.vector_store_idx %parallel_loop3A_314[%add3A_55, %parallel_loop3A_294], %parallel_loop3A_309 : memref<64x129xf32, #tpu.memory_space<vmem>>[vector<16xi32>, vector<16xi32>], vector<16xf32>,
        %parallel_loop3A_315 = arith.constant 0 : i32
        %parallel_loop3A_316 = arith.index_cast %parallel_loop3A_315 : i32 to index
        %parallel_loop3A_317 = arith.index_cast %parallel_loop3A_293 : i32 to index
        %parallel_loop3A_318 = arith.constant 32 : index
        %parallel_loop3A_319 = tpu.vector_load %arg6[%parallel_loop3A_316, %parallel_loop3A_317, %parallel_loop3A_318] {strides = array<i32>} : memref<4x128x64xf32, #tpu.memory_space<vmem>>, vector<16xf32>,
        %parallel_loop3A_320 = arith.constant 0 : i32
        %parallel_loop3A_321 = arith.constant 0 : i32
        %parallel_loop3A_322 = arith.constant 0 : i32
        %parallel_loop3A_323 = tpu.memref_slice %arg7[%parallel_loop3A_320, %parallel_loop3A_321, %parallel_loop3A_322] : memref<2x64x129xf32, #tpu.memory_space<vmem>> -> memref<1x64x129xf32, #tpu.memory_space<vmem>>
        %parallel_loop3A_324 = tpu.memref_squeeze %parallel_loop3A_323 : memref<1x64x129xf32, #tpu.memory_space<vmem>> -> memref<64x129xf32, #tpu.memory_space<vmem>>
        tpu.vector_store_idx %parallel_loop3A_324[%add3A_58, %parallel_loop3A_294], %parallel_loop3A_319 : memref<64x129xf32, #tpu.memory_space<vmem>>[vector<16xi32>, vector<16xi32>], vector<16xf32>,
        %parallel_loop3A_325 = arith.constant 0 : i32
        %parallel_loop3A_326 = arith.index_cast %parallel_loop3A_325 : i32 to index
        %parallel_loop3A_327 = arith.index_cast %parallel_loop3A_293 : i32 to index
        %parallel_loop3A_328 = arith.constant 48 : index
        %parallel_loop3A_329 = tpu.vector_load %arg6[%parallel_loop3A_326, %parallel_loop3A_327, %parallel_loop3A_328] {strides = array<i32>} : memref<4x128x64xf32, #tpu.memory_space<vmem>>, vector<16xf32>,
        %parallel_loop3A_330 = arith.constant 0 : i32
        %parallel_loop3A_331 = arith.constant 0 : i32
        %parallel_loop3A_332 = arith.constant 0 : i32
        %parallel_loop3A_333 = tpu.memref_slice %arg7[%parallel_loop3A_330, %parallel_loop3A_331, %parallel_loop3A_332] : memref<2x64x129xf32, #tpu.memory_space<vmem>> -> memref<1x64x129xf32, #tpu.memory_space<vmem>>
        %parallel_loop3A_334 = tpu.memref_squeeze %parallel_loop3A_333 : memref<1x64x129xf32, #tpu.memory_space<vmem>> -> memref<64x129xf32, #tpu.memory_space<vmem>>
        tpu.vector_store_idx %parallel_loop3A_334[%add3A_61, %parallel_loop3A_294], %parallel_loop3A_329 : memref<64x129xf32, #tpu.memory_space<vmem>>[vector<16xi32>, vector<16xi32>], vector<16xf32>,
      } {sc.loop_unroll_factor = 8 : i64, sc.parallel_access}
      %dma_start3A_131 = arith.constant 0 : i32
      %dma_start3A_132 = arith.constant 0 : i32
      %dma_start3A_133 = arith.constant 0 : i32
      %dma_start3A_134 = tpu.memref_slice %arg7[%dma_start3A_131, %dma_start3A_132, %dma_start3A_133] : memref<2x64x129xf32, #tpu.memory_space<vmem>> -> memref<1x64x128xf32, #tpu.memory_space<vmem>>
      %dma_start3A_135 = tpu.memref_squeeze %dma_start3A_134 : memref<1x64x128xf32, #tpu.memory_space<vmem>> -> memref<64x128xf32, #tpu.memory_space<vmem>>
      %dma_start3A_136 = arith.constant 0 : i32
      %dma_start3A_137 = tpu.memref_slice %arg4[%add3A_114, %dma_start3A_136, %mul3A_2] : memref<200x64x4096xf32, #tpu.memory_space<hbm>> -> memref<1x64x128xf32, #tpu.memory_space<hbm>>
      %dma_start3A_138 = tpu.memref_squeeze %dma_start3A_137 : memref<1x64x128xf32, #tpu.memory_space<hbm>> -> memref<64x128xf32, #tpu.memory_space<hbm>>
      %dma_start3A_139 = arith.constant 0 : i32
      %dma_start3A_140 = tpu.memref_slice %arg4[%add3A_114, %dma_start3A_139, %mul3A_2] : memref<200x64x4096xf32, #tpu.memory_space<hbm>> -> memref<1x64x128xf32, #tpu.memory_space<hbm>>
      %dma_start3A_141 = tpu.memref_squeeze %dma_start3A_140 : memref<1x64x128xf32, #tpu.memory_space<hbm>> -> memref<64x128xf32, #tpu.memory_space<hbm>>
      %dma_start3A_142 = arith.constant 0 : i32
      %dma_start3A_143 = arith.constant 0 : i32
      %dma_start3A_144 = tpu.memref_slice %arg7[%dma_start3A_131, %dma_start3A_142, %dma_start3A_143] : memref<2x64x129xf32, #tpu.memory_space<vmem>> -> memref<1x64x128xf32, #tpu.memory_space<vmem>>
      %dma_start3A_145 = tpu.memref_squeeze %dma_start3A_144 : memref<1x64x128xf32, #tpu.memory_space<vmem>> -> memref<64x128xf32, #tpu.memory_space<vmem>>
      tpu.enqueue_dma source(%dma_start3A_145 : memref<64x128xf32, #tpu.memory_space<vmem>>) target(%dma_start3A_141 : memref<64x128xf32, #tpu.memory_space<hbm>>) target_semaphore(%arg12 : memref<!tpu.dma_semaphore, #tpu.memory_space<semaphore_mem>>)
      %add3A_146 = arith.constant 4 : i32
      %add3A_147 = arith.addi %add3A_114, %add3A_146 : i32
      %lt3A = arith.constant 200 : i32
      %lt3A_148 = arith.cmpi slt, %add3A_147, %lt3A : i32
      %convert_element_type3A_149 = arith.extui %lt3A_148 : i1 to i32
      %cond3A_150 = arith.constant 0 : i32
      %cond3A_151 = arith.cmpi ne, %convert_element_type3A_149, %cond3A_150 : i32
      scf.if %cond3A_151 {
        %add3A_293 = arith.constant 4 : i32
        %add3A_294 = arith.addi %add3A_114, %add3A_293 : i32
        %dma_start3A_295 = arith.constant 0 : i32
        %dma_start3A_296 = arith.constant 0 : i32
        %dma_start3A_297 = arith.constant 0 : i32
        %dma_start3A_298 = tpu.memref_slice %arg6[%dma_start3A_295, %dma_start3A_296, %dma_start3A_297] : memref<4x128x64xf32, #tpu.memory_space<vmem>> -> memref<1x128x64xf32, #tpu.memory_space<vmem>>
        %dma_start3A_299 = tpu.memref_squeeze %dma_start3A_298 : memref<1x128x64xf32, #tpu.memory_space<vmem>> -> memref<128x64xf32, #tpu.memory_space<vmem>>
        %dma_start3A_300 = arith.constant 0 : i32
        %dma_start3A_301 = tpu.memref_slice %arg5[%add3A_294, %dma_start3A_300] : memref<200x128xi32, #tpu.memory_space<vmem>> -> memref<1x128xi32, #tpu.memory_space<vmem>>
        %dma_start3A_302 = tpu.memref_squeeze %dma_start3A_301 : memref<1x128xi32, #tpu.memory_space<vmem>> -> memref<128xi32, #tpu.memory_space<vmem>>
        %dma_start3A_303 = arith.constant 0 : i32
        %dma_start3A_304 = arith.constant 0 : i32
        %dma_start3A_305 = tpu.memref_slice %arg3[%dma_start3A_303, %dma_start3A_304] : memref<1000000x64xf32, #tpu.memory_space<hbm>> -> memref<1000000x64xf32, #tpu.memory_space<hbm>>
        tpu.enqueue_indirect_dma source(%dma_start3A_305 : memref<1000000x64xf32, #tpu.memory_space<hbm>>) target(%dma_start3A_299 : memref<128x64xf32, #tpu.memory_space<vmem>>) offsets(%dma_start3A_302 : memref<128xi32, #tpu.memory_space<vmem>>) semaphore(%arg8 : memref<!tpu.dma_semaphore, #tpu.memory_space<semaphore_mem>>)
      } else {
      }
      %mul3A_152 = arith.constant 4 : i32
      %mul3A_153 = arith.muli %scan3A_110, %mul3A_152 : i32
      %add3A_154 = arith.constant 1 : i32
      %add3A_155 = arith.addi %mul3A_153, %add3A_154 : i32
      %dma_wait3A_156 = arith.constant 1 : i32
      %dma_wait3A_157 = arith.constant 0 : i32
      %dma_wait3A_158 = arith.constant 0 : i32
      %dma_wait3A_159 = tpu.memref_slice %arg6[%dma_wait3A_156, %dma_wait3A_157, %dma_wait3A_158] : memref<4x128x64xf32, #tpu.memory_space<vmem>> -> memref<1x128x64xf32, #tpu.memory_space<vmem>>
      %dma_wait3A_160 = tpu.memref_squeeze %dma_wait3A_159 : memref<1x128x64xf32, #tpu.memory_space<vmem>> -> memref<128x64xf32, #tpu.memory_space<vmem>>
      %dma_wait3A_161 = arith.constant 0 : i32
      %dma_wait3A_162 = tpu.memref_slice %arg5[%add3A_155, %dma_wait3A_161] : memref<200x128xi32, #tpu.memory_space<vmem>> -> memref<1x128xi32, #tpu.memory_space<vmem>>
      %dma_wait3A_163 = tpu.memref_squeeze %dma_wait3A_162 : memref<1x128xi32, #tpu.memory_space<vmem>> -> memref<128xi32, #tpu.memory_space<vmem>>
      %dma_wait3A_164 = arith.constant 0 : i32
      %dma_wait3A_165 = arith.constant 0 : i32
      %dma_wait3A_166 = tpu.memref_slice %arg3[%dma_wait3A_164, %dma_wait3A_165] : memref<1000000x64xf32, #tpu.memory_space<hbm>> -> memref<1000000x64xf32, #tpu.memory_space<hbm>>
      tpu.wait_indirect_dma semaphore(%arg9 : memref<!tpu.dma_semaphore, #tpu.memory_space<semaphore_mem>>) src(%dma_wait3A_166 : memref<1000000x64xf32, #tpu.memory_space<hbm>>) dst(%dma_wait3A_160 : memref<128x64xf32, #tpu.memory_space<vmem>>)
      %gt3A_167 = arith.constant 0 : i32
      %gt3A_168 = arith.cmpi sgt, %scan3A_110, %gt3A_167 : i32
      %or3A_169 = arith.constant false
      %or3A_170 = arith.ori %or3A_169, %gt3A_168 : i1
      %convert_element_type3A_171 = arith.extui %or3A_170 : i1 to i32
      %cond3A_172 = arith.constant 0 : i32
      %cond3A_173 = arith.cmpi ne, %convert_element_type3A_171, %cond3A_172 : i32
      scf.if %cond3A_173 {
        %dma_wait3A_293 = arith.constant 1 : i32
        %dma_wait3A_294 = arith.constant 0 : i32
        %dma_wait3A_295 = arith.constant 0 : i32
        %dma_wait3A_296 = tpu.memref_slice %arg7[%dma_wait3A_293, %dma_wait3A_294, %dma_wait3A_295] : memref<2x64x129xf32, #tpu.memory_space<vmem>> -> memref<1x64x128xf32, #tpu.memory_space<vmem>>
        %dma_wait3A_297 = tpu.memref_squeeze %dma_wait3A_296 : memref<1x64x128xf32, #tpu.memory_space<vmem>> -> memref<64x128xf32, #tpu.memory_space<vmem>>
        %dma_wait3A_298 = arith.constant 0 : i32
        %dma_wait3A_299 = tpu.memref_slice %arg4[%add3A_155, %dma_wait3A_298, %mul3A_2] : memref<200x64x4096xf32, #tpu.memory_space<hbm>> -> memref<1x64x128xf32, #tpu.memory_space<hbm>>
        %dma_wait3A_300 = tpu.memref_squeeze %dma_wait3A_299 : memref<1x64x128xf32, #tpu.memory_space<hbm>> -> memref<64x128xf32, #tpu.memory_space<hbm>>
        %dma_wait3A_301 = arith.constant 0 : i32
        %dma_wait3A_302 = tpu.memref_slice %arg4[%add3A_155, %dma_wait3A_301, %mul3A_2] : memref<200x64x4096xf32, #tpu.memory_space<hbm>> -> memref<1x64x128xf32, #tpu.memory_space<hbm>>
        %dma_wait3A_303 = tpu.memref_squeeze %dma_wait3A_302 : memref<1x64x128xf32, #tpu.memory_space<hbm>> -> memref<64x128xf32, #tpu.memory_space<hbm>>
        %dma_wait3A_304 = arith.constant 0 : i32
        %dma_wait3A_305 = arith.constant 0 : i32
        %dma_wait3A_306 = tpu.memref_slice %arg7[%dma_wait3A_293, %dma_wait3A_304, %dma_wait3A_305] : memref<2x64x129xf32, #tpu.memory_space<vmem>> -> memref<1x64x128xf32, #tpu.memory_space<vmem>>
        %dma_wait3A_307 = tpu.memref_squeeze %dma_wait3A_306 : memref<1x64x128xf32, #tpu.memory_space<vmem>> -> memref<64x128xf32, #tpu.memory_space<vmem>>
        tpu.wait_dma2 semaphore(%arg13 : memref<!tpu.dma_semaphore, #tpu.memory_space<semaphore_mem>>) src(%dma_wait3A_307 : memref<64x128xf32, #tpu.memory_space<vmem>>) dst(%dma_wait3A_303 : memref<64x128xf32, #tpu.memory_space<hbm>>)
      } else {
      }
      %parallel_loop3A_174 = arith.constant 0 : i32
      %parallel_loop3A_175 = arith.constant 128 : i32
      %parallel_loop3A_176 = arith.constant 1 : i32
      scf.for %parallel_loop3A_293 = %parallel_loop3A_174 to %parallel_loop3A_175 step %parallel_loop3A_176  : i32 {
        %parallel_loop3A_294 = vector.broadcast %parallel_loop3A_293 : i32 to vector<16xi32>
        %parallel_loop3A_295 = arith.constant 1 : i32
        %parallel_loop3A_296 = arith.index_cast %parallel_loop3A_295 : i32 to index
        %parallel_loop3A_297 = arith.index_cast %parallel_loop3A_293 : i32 to index
        %parallel_loop3A_298 = arith.constant 0 : index
        %parallel_loop3A_299 = tpu.vector_load %arg6[%parallel_loop3A_296, %parallel_loop3A_297, %parallel_loop3A_298] {strides = array<i32>} : memref<4x128x64xf32, #tpu.memory_space<vmem>>, vector<16xf32>,
        %parallel_loop3A_300 = arith.constant 1 : i32
        %parallel_loop3A_301 = arith.constant 0 : i32
        %parallel_loop3A_302 = arith.constant 0 : i32
        %parallel_loop3A_303 = tpu.memref_slice %arg7[%parallel_loop3A_300, %parallel_loop3A_301, %parallel_loop3A_302] : memref<2x64x129xf32, #tpu.memory_space<vmem>> -> memref<1x64x129xf32, #tpu.memory_space<vmem>>
        %parallel_loop3A_304 = tpu.memref_squeeze %parallel_loop3A_303 : memref<1x64x129xf32, #tpu.memory_space<vmem>> -> memref<64x129xf32, #tpu.memory_space<vmem>>
        tpu.vector_store_idx %parallel_loop3A_304[%add3A_52, %parallel_loop3A_294], %parallel_loop3A_299 : memref<64x129xf32, #tpu.memory_space<vmem>>[vector<16xi32>, vector<16xi32>], vector<16xf32>,
        %parallel_loop3A_305 = arith.constant 1 : i32
        %parallel_loop3A_306 = arith.index_cast %parallel_loop3A_305 : i32 to index
        %parallel_loop3A_307 = arith.index_cast %parallel_loop3A_293 : i32 to index
        %parallel_loop3A_308 = arith.constant 16 : index
        %parallel_loop3A_309 = tpu.vector_load %arg6[%parallel_loop3A_306, %parallel_loop3A_307, %parallel_loop3A_308] {strides = array<i32>} : memref<4x128x64xf32, #tpu.memory_space<vmem>>, vector<16xf32>,
        %parallel_loop3A_310 = arith.constant 1 : i32
        %parallel_loop3A_311 = arith.constant 0 : i32
        %parallel_loop3A_312 = arith.constant 0 : i32
        %parallel_loop3A_313 = tpu.memref_slice %arg7[%parallel_loop3A_310, %parallel_loop3A_311, %parallel_loop3A_312] : memref<2x64x129xf32, #tpu.memory_space<vmem>> -> memref<1x64x129xf32, #tpu.memory_space<vmem>>
        %parallel_loop3A_314 = tpu.memref_squeeze %parallel_loop3A_313 : memref<1x64x129xf32, #tpu.memory_space<vmem>> -> memref<64x129xf32, #tpu.memory_space<vmem>>
        tpu.vector_store_idx %parallel_loop3A_314[%add3A_55, %parallel_loop3A_294], %parallel_loop3A_309 : memref<64x129xf32, #tpu.memory_space<vmem>>[vector<16xi32>, vector<16xi32>], vector<16xf32>,
        %parallel_loop3A_315 = arith.constant 1 : i32
        %parallel_loop3A_316 = arith.index_cast %parallel_loop3A_315 : i32 to index
        %parallel_loop3A_317 = arith.index_cast %parallel_loop3A_293 : i32 to index
        %parallel_loop3A_318 = arith.constant 32 : index
        %parallel_loop3A_319 = tpu.vector_load %arg6[%parallel_loop3A_316, %parallel_loop3A_317, %parallel_loop3A_318] {strides = array<i32>} : memref<4x128x64xf32, #tpu.memory_space<vmem>>, vector<16xf32>,
        %parallel_loop3A_320 = arith.constant 1 : i32
        %parallel_loop3A_321 = arith.constant 0 : i32
        %parallel_loop3A_322 = arith.constant 0 : i32
        %parallel_loop3A_323 = tpu.memref_slice %arg7[%parallel_loop3A_320, %parallel_loop3A_321, %parallel_loop3A_322] : memref<2x64x129xf32, #tpu.memory_space<vmem>> -> memref<1x64x129xf32, #tpu.memory_space<vmem>>
        %parallel_loop3A_324 = tpu.memref_squeeze %parallel_loop3A_323 : memref<1x64x129xf32, #tpu.memory_space<vmem>> -> memref<64x129xf32, #tpu.memory_space<vmem>>
        tpu.vector_store_idx %parallel_loop3A_324[%add3A_58, %parallel_loop3A_294], %parallel_loop3A_319 : memref<64x129xf32, #tpu.memory_space<vmem>>[vector<16xi32>, vector<16xi32>], vector<16xf32>,
        %parallel_loop3A_325 = arith.constant 1 : i32
        %parallel_loop3A_326 = arith.index_cast %parallel_loop3A_325 : i32 to index
        %parallel_loop3A_327 = arith.index_cast %parallel_loop3A_293 : i32 to index
        %parallel_loop3A_328 = arith.constant 48 : index
        %parallel_loop3A_329 = tpu.vector_load %arg6[%parallel_loop3A_326, %parallel_loop3A_327, %parallel_loop3A_328] {strides = array<i32>} : memref<4x128x64xf32, #tpu.memory_space<vmem>>, vector<16xf32>,
        %parallel_loop3A_330 = arith.constant 1 : i32
        %parallel_loop3A_331 = arith.constant 0 : i32
        %parallel_loop3A_332 = arith.constant 0 : i32
        %parallel_loop3A_333 = tpu.memref_slice %arg7[%parallel_loop3A_330, %parallel_loop3A_331, %parallel_loop3A_332] : memref<2x64x129xf32, #tpu.memory_space<vmem>> -> memref<1x64x129xf32, #tpu.memory_space<vmem>>
        %parallel_loop3A_334 = tpu.memref_squeeze %parallel_loop3A_333 : memref<1x64x129xf32, #tpu.memory_space<vmem>> -> memref<64x129xf32, #tpu.memory_space<vmem>>
        tpu.vector_store_idx %parallel_loop3A_334[%add3A_61, %parallel_loop3A_294], %parallel_loop3A_329 : memref<64x129xf32, #tpu.memory_space<vmem>>[vector<16xi32>, vector<16xi32>], vector<16xf32>,
      } {sc.loop_unroll_factor = 8 : i64, sc.parallel_access}
      %dma_start3A_177 = arith.constant 1 : i32
      %dma_start3A_178 = arith.constant 0 : i32
      %dma_start3A_179 = arith.constant 0 : i32
      %dma_start3A_180 = tpu.memref_slice %arg7[%dma_start3A_177, %dma_start3A_178, %dma_start3A_179] : memref<2x64x129xf32, #tpu.memory_space<vmem>> -> memref<1x64x128xf32, #tpu.memory_space<vmem>>
      %dma_start3A_181 = tpu.memref_squeeze %dma_start3A_180 : memref<1x64x128xf32, #tpu.memory_space<vmem>> -> memref<64x128xf32, #tpu.memory_space<vmem>>
      %dma_start3A_182 = arith.constant 0 : i32
      %dma_start3A_183 = tpu.memref_slice %arg4[%add3A_155, %dma_start3A_182, %mul3A_2] : memref<200x64x4096xf32, #tpu.memory_space<hbm>> -> memref<1x64x128xf32, #tpu.memory_space<hbm>>
      %dma_start3A_184 = tpu.memref_squeeze %dma_start3A_183 : memref<1x64x128xf32, #tpu.memory_space<hbm>> -> memref<64x128xf32, #tpu.memory_space<hbm>>
      %dma_start3A_185 = arith.constant 0 : i32
      %dma_start3A_186 = tpu.memref_slice %arg4[%add3A_155, %dma_start3A_185, %mul3A_2] : memref<200x64x4096xf32, #tpu.memory_space<hbm>> -> memref<1x64x128xf32, #tpu.memory_space<hbm>>
      %dma_start3A_187 = tpu.memref_squeeze %dma_start3A_186 : memref<1x64x128xf32, #tpu.memory_space<hbm>> -> memref<64x128xf32, #tpu.memory_space<hbm>>
      %dma_start3A_188 = arith.constant 0 : i32
      %dma_start3A_189 = arith.constant 0 : i32
      %dma_start3A_190 = tpu.memref_slice %arg7[%dma_start3A_177, %dma_start3A_188, %dma_start3A_189] : memref<2x64x129xf32, #tpu.memory_space<vmem>> -> memref<1x64x128xf32, #tpu.memory_space<vmem>>
      %dma_start3A_191 = tpu.memref_squeeze %dma_start3A_190 : memref<1x64x128xf32, #tpu.memory_space<vmem>> -> memref<64x128xf32, #tpu.memory_space<vmem>>
      tpu.enqueue_dma source(%dma_start3A_191 : memref<64x128xf32, #tpu.memory_space<vmem>>) target(%dma_start3A_187 : memref<64x128xf32, #tpu.memory_space<hbm>>) target_semaphore(%arg13 : memref<!tpu.dma_semaphore, #tpu.memory_space<semaphore_mem>>)
      %add3A_192 = arith.constant 4 : i32
      %add3A_193 = arith.addi %add3A_155, %add3A_192 : i32
      %lt3A_194 = arith.constant 200 : i32
      %lt3A_195 = arith.cmpi slt, %add3A_193, %lt3A_194 : i32
      %convert_element_type3A_196 = arith.extui %lt3A_195 : i1 to i32
      %cond3A_197 = arith.constant 0 : i32
      %cond3A_198 = arith.cmpi ne, %convert_element_type3A_196, %cond3A_197 : i32
      scf.if %cond3A_198 {
        %add3A_293 = arith.constant 4 : i32
        %add3A_294 = arith.addi %add3A_155, %add3A_293 : i32
        %dma_start3A_295 = arith.constant 1 : i32
        %dma_start3A_296 = arith.constant 0 : i32
        %dma_start3A_297 = arith.constant 0 : i32
        %dma_start3A_298 = tpu.memref_slice %arg6[%dma_start3A_295, %dma_start3A_296, %dma_start3A_297] : memref<4x128x64xf32, #tpu.memory_space<vmem>> -> memref<1x128x64xf32, #tpu.memory_space<vmem>>
        %dma_start3A_299 = tpu.memref_squeeze %dma_start3A_298 : memref<1x128x64xf32, #tpu.memory_space<vmem>> -> memref<128x64xf32, #tpu.memory_space<vmem>>
        %dma_start3A_300 = arith.constant 0 : i32
        %dma_start3A_301 = tpu.memref_slice %arg5[%add3A_294, %dma_start3A_300] : memref<200x128xi32, #tpu.memory_space<vmem>> -> memref<1x128xi32, #tpu.memory_space<vmem>>
        %dma_start3A_302 = tpu.memref_squeeze %dma_start3A_301 : memref<1x128xi32, #tpu.memory_space<vmem>> -> memref<128xi32, #tpu.memory_space<vmem>>
        %dma_start3A_303 = arith.constant 0 : i32
        %dma_start3A_304 = arith.constant 0 : i32
        %dma_start3A_305 = tpu.memref_slice %arg3[%dma_start3A_303, %dma_start3A_304] : memref<1000000x64xf32, #tpu.memory_space<hbm>> -> memref<1000000x64xf32, #tpu.memory_space<hbm>>
        tpu.enqueue_indirect_dma source(%dma_start3A_305 : memref<1000000x64xf32, #tpu.memory_space<hbm>>) target(%dma_start3A_299 : memref<128x64xf32, #tpu.memory_space<vmem>>) offsets(%dma_start3A_302 : memref<128xi32, #tpu.memory_space<vmem>>) semaphore(%arg9 : memref<!tpu.dma_semaphore, #tpu.memory_space<semaphore_mem>>)
      } else {
      }
      %mul3A_199 = arith.constant 4 : i32
      %mul3A_200 = arith.muli %scan3A_110, %mul3A_199 : i32
      %add3A_201 = arith.constant 2 : i32
      %add3A_202 = arith.addi %mul3A_200, %add3A_201 : i32
      %dma_wait3A_203 = arith.constant 2 : i32
      %dma_wait3A_204 = arith.constant 0 : i32
      %dma_wait3A_205 = arith.constant 0 : i32
      %dma_wait3A_206 = tpu.memref_slice %arg6[%dma_wait3A_203, %dma_wait3A_204, %dma_wait3A_205] : memref<4x128x64xf32, #tpu.memory_space<vmem>> -> memref<1x128x64xf32, #tpu.memory_space<vmem>>
      %dma_wait3A_207 = tpu.memref_squeeze %dma_wait3A_206 : memref<1x128x64xf32, #tpu.memory_space<vmem>> -> memref<128x64xf32, #tpu.memory_space<vmem>>
      %dma_wait3A_208 = arith.constant 0 : i32
      %dma_wait3A_209 = tpu.memref_slice %arg5[%add3A_202, %dma_wait3A_208] : memref<200x128xi32, #tpu.memory_space<vmem>> -> memref<1x128xi32, #tpu.memory_space<vmem>>
      %dma_wait3A_210 = tpu.memref_squeeze %dma_wait3A_209 : memref<1x128xi32, #tpu.memory_space<vmem>> -> memref<128xi32, #tpu.memory_space<vmem>>
      %dma_wait3A_211 = arith.constant 0 : i32
      %dma_wait3A_212 = arith.constant 0 : i32
      %dma_wait3A_213 = tpu.memref_slice %arg3[%dma_wait3A_211, %dma_wait3A_212] : memref<1000000x64xf32, #tpu.memory_space<hbm>> -> memref<1000000x64xf32, #tpu.memory_space<hbm>>
      tpu.wait_indirect_dma semaphore(%arg10 : memref<!tpu.dma_semaphore, #tpu.memory_space<semaphore_mem>>) src(%dma_wait3A_213 : memref<1000000x64xf32, #tpu.memory_space<hbm>>) dst(%dma_wait3A_207 : memref<128x64xf32, #tpu.memory_space<vmem>>)
      %gt3A_214 = arith.constant 0 : i32
      %gt3A_215 = arith.cmpi sgt, %scan3A_110, %gt3A_214 : i32
      %or3A_216 = arith.constant true
      %or3A_217 = arith.ori %or3A_216, %gt3A_215 : i1
      %convert_element_type3A_218 = arith.extui %or3A_217 : i1 to i32
      %cond3A_219 = arith.constant 0 : i32
      %cond3A_220 = arith.cmpi ne, %convert_element_type3A_218, %cond3A_219 : i32
      scf.if %cond3A_220 {
        %dma_wait3A_293 = arith.constant 0 : i32
        %dma_wait3A_294 = arith.constant 0 : i32
        %dma_wait3A_295 = arith.constant 0 : i32
        %dma_wait3A_296 = tpu.memref_slice %arg7[%dma_wait3A_293, %dma_wait3A_294, %dma_wait3A_295] : memref<2x64x129xf32, #tpu.memory_space<vmem>> -> memref<1x64x128xf32, #tpu.memory_space<vmem>>
        %dma_wait3A_297 = tpu.memref_squeeze %dma_wait3A_296 : memref<1x64x128xf32, #tpu.memory_space<vmem>> -> memref<64x128xf32, #tpu.memory_space<vmem>>
        %dma_wait3A_298 = arith.constant 0 : i32
        %dma_wait3A_299 = tpu.memref_slice %arg4[%add3A_202, %dma_wait3A_298, %mul3A_2] : memref<200x64x4096xf32, #tpu.memory_space<hbm>> -> memref<1x64x128xf32, #tpu.memory_space<hbm>>
        %dma_wait3A_300 = tpu.memref_squeeze %dma_wait3A_299 : memref<1x64x128xf32, #tpu.memory_space<hbm>> -> memref<64x128xf32, #tpu.memory_space<hbm>>
        %dma_wait3A_301 = arith.constant 0 : i32
        %dma_wait3A_302 = tpu.memref_slice %arg4[%add3A_202, %dma_wait3A_301, %mul3A_2] : memref<200x64x4096xf32, #tpu.memory_space<hbm>> -> memref<1x64x128xf32, #tpu.memory_space<hbm>>
        %dma_wait3A_303 = tpu.memref_squeeze %dma_wait3A_302 : memref<1x64x128xf32, #tpu.memory_space<hbm>> -> memref<64x128xf32, #tpu.memory_space<hbm>>
        %dma_wait3A_304 = arith.constant 0 : i32
        %dma_wait3A_305 = arith.constant 0 : i32
        %dma_wait3A_306 = tpu.memref_slice %arg7[%dma_wait3A_293, %dma_wait3A_304, %dma_wait3A_305] : memref<2x64x129xf32, #tpu.memory_space<vmem>> -> memref<1x64x128xf32, #tpu.memory_space<vmem>>
        %dma_wait3A_307 = tpu.memref_squeeze %dma_wait3A_306 : memref<1x64x128xf32, #tpu.memory_space<vmem>> -> memref<64x128xf32, #tpu.memory_space<vmem>>
        tpu.wait_dma2 semaphore(%arg12 : memref<!tpu.dma_semaphore, #tpu.memory_space<semaphore_mem>>) src(%dma_wait3A_307 : memref<64x128xf32, #tpu.memory_space<vmem>>) dst(%dma_wait3A_303 : memref<64x128xf32, #tpu.memory_space<hbm>>)
      } else {
      }
      %parallel_loop3A_221 = arith.constant 0 : i32
      %parallel_loop3A_222 = arith.constant 128 : i32
      %parallel_loop3A_223 = arith.constant 1 : i32
      scf.for %parallel_loop3A_293 = %parallel_loop3A_221 to %parallel_loop3A_222 step %parallel_loop3A_223  : i32 {
        %parallel_loop3A_294 = vector.broadcast %parallel_loop3A_293 : i32 to vector<16xi32>
        %parallel_loop3A_295 = arith.constant 2 : i32
        %parallel_loop3A_296 = arith.index_cast %parallel_loop3A_295 : i32 to index
        %parallel_loop3A_297 = arith.index_cast %parallel_loop3A_293 : i32 to index
        %parallel_loop3A_298 = arith.constant 0 : index
        %parallel_loop3A_299 = tpu.vector_load %arg6[%parallel_loop3A_296, %parallel_loop3A_297, %parallel_loop3A_298] {strides = array<i32>} : memref<4x128x64xf32, #tpu.memory_space<vmem>>, vector<16xf32>,
        %parallel_loop3A_300 = arith.constant 0 : i32
        %parallel_loop3A_301 = arith.constant 0 : i32
        %parallel_loop3A_302 = arith.constant 0 : i32
        %parallel_loop3A_303 = tpu.memref_slice %arg7[%parallel_loop3A_300, %parallel_loop3A_301, %parallel_loop3A_302] : memref<2x64x129xf32, #tpu.memory_space<vmem>> -> memref<1x64x129xf32, #tpu.memory_space<vmem>>
        %parallel_loop3A_304 = tpu.memref_squeeze %parallel_loop3A_303 : memref<1x64x129xf32, #tpu.memory_space<vmem>> -> memref<64x129xf32, #tpu.memory_space<vmem>>
        tpu.vector_store_idx %parallel_loop3A_304[%add3A_52, %parallel_loop3A_294], %parallel_loop3A_299 : memref<64x129xf32, #tpu.memory_space<vmem>>[vector<16xi32>, vector<16xi32>], vector<16xf32>,
        %parallel_loop3A_305 = arith.constant 2 : i32
        %parallel_loop3A_306 = arith.index_cast %parallel_loop3A_305 : i32 to index
        %parallel_loop3A_307 = arith.index_cast %parallel_loop3A_293 : i32 to index
        %parallel_loop3A_308 = arith.constant 16 : index
        %parallel_loop3A_309 = tpu.vector_load %arg6[%parallel_loop3A_306, %parallel_loop3A_307, %parallel_loop3A_308] {strides = array<i32>} : memref<4x128x64xf32, #tpu.memory_space<vmem>>, vector<16xf32>,
        %parallel_loop3A_310 = arith.constant 0 : i32
        %parallel_loop3A_311 = arith.constant 0 : i32
        %parallel_loop3A_312 = arith.constant 0 : i32
        %parallel_loop3A_313 = tpu.memref_slice %arg7[%parallel_loop3A_310, %parallel_loop3A_311, %parallel_loop3A_312] : memref<2x64x129xf32, #tpu.memory_space<vmem>> -> memref<1x64x129xf32, #tpu.memory_space<vmem>>
        %parallel_loop3A_314 = tpu.memref_squeeze %parallel_loop3A_313 : memref<1x64x129xf32, #tpu.memory_space<vmem>> -> memref<64x129xf32, #tpu.memory_space<vmem>>
        tpu.vector_store_idx %parallel_loop3A_314[%add3A_55, %parallel_loop3A_294], %parallel_loop3A_309 : memref<64x129xf32, #tpu.memory_space<vmem>>[vector<16xi32>, vector<16xi32>], vector<16xf32>,
        %parallel_loop3A_315 = arith.constant 2 : i32
        %parallel_loop3A_316 = arith.index_cast %parallel_loop3A_315 : i32 to index
        %parallel_loop3A_317 = arith.index_cast %parallel_loop3A_293 : i32 to index
        %parallel_loop3A_318 = arith.constant 32 : index
        %parallel_loop3A_319 = tpu.vector_load %arg6[%parallel_loop3A_316, %parallel_loop3A_317, %parallel_loop3A_318] {strides = array<i32>} : memref<4x128x64xf32, #tpu.memory_space<vmem>>, vector<16xf32>,
        %parallel_loop3A_320 = arith.constant 0 : i32
        %parallel_loop3A_321 = arith.constant 0 : i32
        %parallel_loop3A_322 = arith.constant 0 : i32
        %parallel_loop3A_323 = tpu.memref_slice %arg7[%parallel_loop3A_320, %parallel_loop3A_321, %parallel_loop3A_322] : memref<2x64x129xf32, #tpu.memory_space<vmem>> -> memref<1x64x129xf32, #tpu.memory_space<vmem>>
        %parallel_loop3A_324 = tpu.memref_squeeze %parallel_loop3A_323 : memref<1x64x129xf32, #tpu.memory_space<vmem>> -> memref<64x129xf32, #tpu.memory_space<vmem>>
        tpu.vector_store_idx %parallel_loop3A_324[%add3A_58, %parallel_loop3A_294], %parallel_loop3A_319 : memref<64x129xf32, #tpu.memory_space<vmem>>[vector<16xi32>, vector<16xi32>], vector<16xf32>,
        %parallel_loop3A_325 = arith.constant 2 : i32
        %parallel_loop3A_326 = arith.index_cast %parallel_loop3A_325 : i32 to index
        %parallel_loop3A_327 = arith.index_cast %parallel_loop3A_293 : i32 to index
        %parallel_loop3A_328 = arith.constant 48 : index
        %parallel_loop3A_329 = tpu.vector_load %arg6[%parallel_loop3A_326, %parallel_loop3A_327, %parallel_loop3A_328] {strides = array<i32>} : memref<4x128x64xf32, #tpu.memory_space<vmem>>, vector<16xf32>,
        %parallel_loop3A_330 = arith.constant 0 : i32
        %parallel_loop3A_331 = arith.constant 0 : i32
        %parallel_loop3A_332 = arith.constant 0 : i32
        %parallel_loop3A_333 = tpu.memref_slice %arg7[%parallel_loop3A_330, %parallel_loop3A_331, %parallel_loop3A_332] : memref<2x64x129xf32, #tpu.memory_space<vmem>> -> memref<1x64x129xf32, #tpu.memory_space<vmem>>
        %parallel_loop3A_334 = tpu.memref_squeeze %parallel_loop3A_333 : memref<1x64x129xf32, #tpu.memory_space<vmem>> -> memref<64x129xf32, #tpu.memory_space<vmem>>
        tpu.vector_store_idx %parallel_loop3A_334[%add3A_61, %parallel_loop3A_294], %parallel_loop3A_329 : memref<64x129xf32, #tpu.memory_space<vmem>>[vector<16xi32>, vector<16xi32>], vector<16xf32>,
      } {sc.loop_unroll_factor = 8 : i64, sc.parallel_access}
      %dma_start3A_224 = arith.constant 0 : i32
      %dma_start3A_225 = arith.constant 0 : i32
      %dma_start3A_226 = arith.constant 0 : i32
      %dma_start3A_227 = tpu.memref_slice %arg7[%dma_start3A_224, %dma_start3A_225, %dma_start3A_226] : memref<2x64x129xf32, #tpu.memory_space<vmem>> -> memref<1x64x128xf32, #tpu.memory_space<vmem>>
      %dma_start3A_228 = tpu.memref_squeeze %dma_start3A_227 : memref<1x64x128xf32, #tpu.memory_space<vmem>> -> memref<64x128xf32, #tpu.memory_space<vmem>>
      %dma_start3A_229 = arith.constant 0 : i32
      %dma_start3A_230 = tpu.memref_slice %arg4[%add3A_202, %dma_start3A_229, %mul3A_2] : memref<200x64x4096xf32, #tpu.memory_space<hbm>> -> memref<1x64x128xf32, #tpu.memory_space<hbm>>
      %dma_start3A_231 = tpu.memref_squeeze %dma_start3A_230 : memref<1x64x128xf32, #tpu.memory_space<hbm>> -> memref<64x128xf32, #tpu.memory_space<hbm>>
      %dma_start3A_232 = arith.constant 0 : i32
      %dma_start3A_233 = tpu.memref_slice %arg4[%add3A_202, %dma_start3A_232, %mul3A_2] : memref<200x64x4096xf32, #tpu.memory_space<hbm>> -> memref<1x64x128xf32, #tpu.memory_space<hbm>>
      %dma_start3A_234 = tpu.memref_squeeze %dma_start3A_233 : memref<1x64x128xf32, #tpu.memory_space<hbm>> -> memref<64x128xf32, #tpu.memory_space<hbm>>
      %dma_start3A_235 = arith.constant 0 : i32
      %dma_start3A_236 = arith.constant 0 : i32
      %dma_start3A_237 = tpu.memref_slice %arg7[%dma_start3A_224, %dma_start3A_235, %dma_start3A_236] : memref<2x64x129xf32, #tpu.memory_space<vmem>> -> memref<1x64x128xf32, #tpu.memory_space<vmem>>
      %dma_start3A_238 = tpu.memref_squeeze %dma_start3A_237 : memref<1x64x128xf32, #tpu.memory_space<vmem>> -> memref<64x128xf32, #tpu.memory_space<vmem>>
      tpu.enqueue_dma source(%dma_start3A_238 : memref<64x128xf32, #tpu.memory_space<vmem>>) target(%dma_start3A_234 : memref<64x128xf32, #tpu.memory_space<hbm>>) target_semaphore(%arg12 : memref<!tpu.dma_semaphore, #tpu.memory_space<semaphore_mem>>)
      %add3A_239 = arith.constant 4 : i32
      %add3A_240 = arith.addi %add3A_202, %add3A_239 : i32
      %lt3A_241 = arith.constant 200 : i32
      %lt3A_242 = arith.cmpi slt, %add3A_240, %lt3A_241 : i32
      %convert_element_type3A_243 = arith.extui %lt3A_242 : i1 to i32
      %cond3A_244 = arith.constant 0 : i32
      %cond3A_245 = arith.cmpi ne, %convert_element_type3A_243, %cond3A_244 : i32
      scf.if %cond3A_245 {
        %add3A_293 = arith.constant 4 : i32
        %add3A_294 = arith.addi %add3A_202, %add3A_293 : i32
        %dma_start3A_295 = arith.constant 2 : i32
        %dma_start3A_296 = arith.constant 0 : i32
        %dma_start3A_297 = arith.constant 0 : i32
        %dma_start3A_298 = tpu.memref_slice %arg6[%dma_start3A_295, %dma_start3A_296, %dma_start3A_297] : memref<4x128x64xf32, #tpu.memory_space<vmem>> -> memref<1x128x64xf32, #tpu.memory_space<vmem>>
        %dma_start3A_299 = tpu.memref_squeeze %dma_start3A_298 : memref<1x128x64xf32, #tpu.memory_space<vmem>> -> memref<128x64xf32, #tpu.memory_space<vmem>>
        %dma_start3A_300 = arith.constant 0 : i32
        %dma_start3A_301 = tpu.memref_slice %arg5[%add3A_294, %dma_start3A_300] : memref<200x128xi32, #tpu.memory_space<vmem>> -> memref<1x128xi32, #tpu.memory_space<vmem>>
        %dma_start3A_302 = tpu.memref_squeeze %dma_start3A_301 : memref<1x128xi32, #tpu.memory_space<vmem>> -> memref<128xi32, #tpu.memory_space<vmem>>
        %dma_start3A_303 = arith.constant 0 : i32
        %dma_start3A_304 = arith.constant 0 : i32
        %dma_start3A_305 = tpu.memref_slice %arg3[%dma_start3A_303, %dma_start3A_304] : memref<1000000x64xf32, #tpu.memory_space<hbm>> -> memref<1000000x64xf32, #tpu.memory_space<hbm>>
        tpu.enqueue_indirect_dma source(%dma_start3A_305 : memref<1000000x64xf32, #tpu.memory_space<hbm>>) target(%dma_start3A_299 : memref<128x64xf32, #tpu.memory_space<vmem>>) offsets(%dma_start3A_302 : memref<128xi32, #tpu.memory_space<vmem>>) semaphore(%arg10 : memref<!tpu.dma_semaphore, #tpu.memory_space<semaphore_mem>>)
      } else {
      }
      %mul3A_246 = arith.constant 4 : i32
      %mul3A_247 = arith.muli %scan3A_110, %mul3A_246 : i32
      %add3A_248 = arith.constant 3 : i32
      %add3A_249 = arith.addi %mul3A_247, %add3A_248 : i32
      %dma_wait3A_250 = arith.constant 3 : i32
      %dma_wait3A_251 = arith.constant 0 : i32
      %dma_wait3A_252 = arith.constant 0 : i32
      %dma_wait3A_253 = tpu.memref_slice %arg6[%dma_wait3A_250, %dma_wait3A_251, %dma_wait3A_252] : memref<4x128x64xf32, #tpu.memory_space<vmem>> -> memref<1x128x64xf32, #tpu.memory_space<vmem>>
      %dma_wait3A_254 = tpu.memref_squeeze %dma_wait3A_253 : memref<1x128x64xf32, #tpu.memory_space<vmem>> -> memref<128x64xf32, #tpu.memory_space<vmem>>
      %dma_wait3A_255 = arith.constant 0 : i32
      %dma_wait3A_256 = tpu.memref_slice %arg5[%add3A_249, %dma_wait3A_255] : memref<200x128xi32, #tpu.memory_space<vmem>> -> memref<1x128xi32, #tpu.memory_space<vmem>>
      %dma_wait3A_257 = tpu.memref_squeeze %dma_wait3A_256 : memref<1x128xi32, #tpu.memory_space<vmem>> -> memref<128xi32, #tpu.memory_space<vmem>>
      %dma_wait3A_258 = arith.constant 0 : i32
      %dma_wait3A_259 = arith.constant 0 : i32
      %dma_wait3A_260 = tpu.memref_slice %arg3[%dma_wait3A_258, %dma_wait3A_259] : memref<1000000x64xf32, #tpu.memory_space<hbm>> -> memref<1000000x64xf32, #tpu.memory_space<hbm>>
      tpu.wait_indirect_dma semaphore(%arg11 : memref<!tpu.dma_semaphore, #tpu.memory_space<semaphore_mem>>) src(%dma_wait3A_260 : memref<1000000x64xf32, #tpu.memory_space<hbm>>) dst(%dma_wait3A_254 : memref<128x64xf32, #tpu.memory_space<vmem>>)
      %gt3A_261 = arith.constant 0 : i32
      %gt3A_262 = arith.cmpi sgt, %scan3A_110, %gt3A_261 : i32
      %or3A_263 = arith.constant true
      %or3A_264 = arith.ori %or3A_263, %gt3A_262 : i1
      %convert_element_type3A_265 = arith.extui %or3A_264 : i1 to i32
      %cond3A_266 = arith.constant 0 : i32
      %cond3A_267 = arith.cmpi ne, %convert_element_type3A_265, %cond3A_266 : i32
      scf.if %cond3A_267 {
        %dma_wait3A_293 = arith.constant 1 : i32
        %dma_wait3A_294 = arith.constant 0 : i32
        %dma_wait3A_295 = arith.constant 0 : i32
        %dma_wait3A_296 = tpu.memref_slice %arg7[%dma_wait3A_293, %dma_wait3A_294, %dma_wait3A_295] : memref<2x64x129xf32, #tpu.memory_space<vmem>> -> memref<1x64x128xf32, #tpu.memory_space<vmem>>
        %dma_wait3A_297 = tpu.memref_squeeze %dma_wait3A_296 : memref<1x64x128xf32, #tpu.memory_space<vmem>> -> memref<64x128xf32, #tpu.memory_space<vmem>>
        %dma_wait3A_298 = arith.constant 0 : i32
        %dma_wait3A_299 = tpu.memref_slice %arg4[%add3A_249, %dma_wait3A_298, %mul3A_2] : memref<200x64x4096xf32, #tpu.memory_space<hbm>> -> memref<1x64x128xf32, #tpu.memory_space<hbm>>
        %dma_wait3A_300 = tpu.memref_squeeze %dma_wait3A_299 : memref<1x64x128xf32, #tpu.memory_space<hbm>> -> memref<64x128xf32, #tpu.memory_space<hbm>>
        %dma_wait3A_301 = arith.constant 0 : i32
        %dma_wait3A_302 = tpu.memref_slice %arg4[%add3A_249, %dma_wait3A_301, %mul3A_2] : memref<200x64x4096xf32, #tpu.memory_space<hbm>> -> memref<1x64x128xf32, #tpu.memory_space<hbm>>
        %dma_wait3A_303 = tpu.memref_squeeze %dma_wait3A_302 : memref<1x64x128xf32, #tpu.memory_space<hbm>> -> memref<64x128xf32, #tpu.memory_space<hbm>>
        %dma_wait3A_304 = arith.constant 0 : i32
        %dma_wait3A_305 = arith.constant 0 : i32
        %dma_wait3A_306 = tpu.memref_slice %arg7[%dma_wait3A_293, %dma_wait3A_304, %dma_wait3A_305] : memref<2x64x129xf32, #tpu.memory_space<vmem>> -> memref<1x64x128xf32, #tpu.memory_space<vmem>>
        %dma_wait3A_307 = tpu.memref_squeeze %dma_wait3A_306 : memref<1x64x128xf32, #tpu.memory_space<vmem>> -> memref<64x128xf32, #tpu.memory_space<vmem>>
        tpu.wait_dma2 semaphore(%arg13 : memref<!tpu.dma_semaphore, #tpu.memory_space<semaphore_mem>>) src(%dma_wait3A_307 : memref<64x128xf32, #tpu.memory_space<vmem>>) dst(%dma_wait3A_303 : memref<64x128xf32, #tpu.memory_space<hbm>>)
      } else {
      }
      %parallel_loop3A_268 = arith.constant 0 : i32
      %parallel_loop3A_269 = arith.constant 128 : i32
      %parallel_loop3A_270 = arith.constant 1 : i32
      scf.for %parallel_loop3A_293 = %parallel_loop3A_268 to %parallel_loop3A_269 step %parallel_loop3A_270  : i32 {
        %parallel_loop3A_294 = vector.broadcast %parallel_loop3A_293 : i32 to vector<16xi32>
        %parallel_loop3A_295 = arith.constant 3 : i32
        %parallel_loop3A_296 = arith.index_cast %parallel_loop3A_295 : i32 to index
        %parallel_loop3A_297 = arith.index_cast %parallel_loop3A_293 : i32 to index
        %parallel_loop3A_298 = arith.constant 0 : index
        %parallel_loop3A_299 = tpu.vector_load %arg6[%parallel_loop3A_296, %parallel_loop3A_297, %parallel_loop3A_298] {strides = array<i32>} : memref<4x128x64xf32, #tpu.memory_space<vmem>>, vector<16xf32>,
        %parallel_loop3A_300 = arith.constant 1 : i32
        %parallel_loop3A_301 = arith.constant 0 : i32
        %parallel_loop3A_302 = arith.constant 0 : i32
        %parallel_loop3A_303 = tpu.memref_slice %arg7[%parallel_loop3A_300, %parallel_loop3A_301, %parallel_loop3A_302] : memref<2x64x129xf32, #tpu.memory_space<vmem>> -> memref<1x64x129xf32, #tpu.memory_space<vmem>>
        %parallel_loop3A_304 = tpu.memref_squeeze %parallel_loop3A_303 : memref<1x64x129xf32, #tpu.memory_space<vmem>> -> memref<64x129xf32, #tpu.memory_space<vmem>>
        tpu.vector_store_idx %parallel_loop3A_304[%add3A_52, %parallel_loop3A_294], %parallel_loop3A_299 : memref<64x129xf32, #tpu.memory_space<vmem>>[vector<16xi32>, vector<16xi32>], vector<16xf32>,
        %parallel_loop3A_305 = arith.constant 3 : i32
        %parallel_loop3A_306 = arith.index_cast %parallel_loop3A_305 : i32 to index
        %parallel_loop3A_307 = arith.index_cast %parallel_loop3A_293 : i32 to index
        %parallel_loop3A_308 = arith.constant 16 : index
        %parallel_loop3A_309 = tpu.vector_load %arg6[%parallel_loop3A_306, %parallel_loop3A_307, %parallel_loop3A_308] {strides = array<i32>} : memref<4x128x64xf32, #tpu.memory_space<vmem>>, vector<16xf32>,
        %parallel_loop3A_310 = arith.constant 1 : i32
        %parallel_loop3A_311 = arith.constant 0 : i32
        %parallel_loop3A_312 = arith.constant 0 : i32
        %parallel_loop3A_313 = tpu.memref_slice %arg7[%parallel_loop3A_310, %parallel_loop3A_311, %parallel_loop3A_312] : memref<2x64x129xf32, #tpu.memory_space<vmem>> -> memref<1x64x129xf32, #tpu.memory_space<vmem>>
        %parallel_loop3A_314 = tpu.memref_squeeze %parallel_loop3A_313 : memref<1x64x129xf32, #tpu.memory_space<vmem>> -> memref<64x129xf32, #tpu.memory_space<vmem>>
        tpu.vector_store_idx %parallel_loop3A_314[%add3A_55, %parallel_loop3A_294], %parallel_loop3A_309 : memref<64x129xf32, #tpu.memory_space<vmem>>[vector<16xi32>, vector<16xi32>], vector<16xf32>,
        %parallel_loop3A_315 = arith.constant 3 : i32
        %parallel_loop3A_316 = arith.index_cast %parallel_loop3A_315 : i32 to index
        %parallel_loop3A_317 = arith.index_cast %parallel_loop3A_293 : i32 to index
        %parallel_loop3A_318 = arith.constant 32 : index
        %parallel_loop3A_319 = tpu.vector_load %arg6[%parallel_loop3A_316, %parallel_loop3A_317, %parallel_loop3A_318] {strides = array<i32>} : memref<4x128x64xf32, #tpu.memory_space<vmem>>, vector<16xf32>,
        %parallel_loop3A_320 = arith.constant 1 : i32
        %parallel_loop3A_321 = arith.constant 0 : i32
        %parallel_loop3A_322 = arith.constant 0 : i32
        %parallel_loop3A_323 = tpu.memref_slice %arg7[%parallel_loop3A_320, %parallel_loop3A_321, %parallel_loop3A_322] : memref<2x64x129xf32, #tpu.memory_space<vmem>> -> memref<1x64x129xf32, #tpu.memory_space<vmem>>
        %parallel_loop3A_324 = tpu.memref_squeeze %parallel_loop3A_323 : memref<1x64x129xf32, #tpu.memory_space<vmem>> -> memref<64x129xf32, #tpu.memory_space<vmem>>
        tpu.vector_store_idx %parallel_loop3A_324[%add3A_58, %parallel_loop3A_294], %parallel_loop3A_319 : memref<64x129xf32, #tpu.memory_space<vmem>>[vector<16xi32>, vector<16xi32>], vector<16xf32>,
        %parallel_loop3A_325 = arith.constant 3 : i32
        %parallel_loop3A_326 = arith.index_cast %parallel_loop3A_325 : i32 to index
        %parallel_loop3A_327 = arith.index_cast %parallel_loop3A_293 : i32 to index
        %parallel_loop3A_328 = arith.constant 48 : index
        %parallel_loop3A_329 = tpu.vector_load %arg6[%parallel_loop3A_326, %parallel_loop3A_327, %parallel_loop3A_328] {strides = array<i32>} : memref<4x128x64xf32, #tpu.memory_space<vmem>>, vector<16xf32>,
        %parallel_loop3A_330 = arith.constant 1 : i32
        %parallel_loop3A_331 = arith.constant 0 : i32
        %parallel_loop3A_332 = arith.constant 0 : i32
        %parallel_loop3A_333 = tpu.memref_slice %arg7[%parallel_loop3A_330, %parallel_loop3A_331, %parallel_loop3A_332] : memref<2x64x129xf32, #tpu.memory_space<vmem>> -> memref<1x64x129xf32, #tpu.memory_space<vmem>>
        %parallel_loop3A_334 = tpu.memref_squeeze %parallel_loop3A_333 : memref<1x64x129xf32, #tpu.memory_space<vmem>> -> memref<64x129xf32, #tpu.memory_space<vmem>>
        tpu.vector_store_idx %parallel_loop3A_334[%add3A_61, %parallel_loop3A_294], %parallel_loop3A_329 : memref<64x129xf32, #tpu.memory_space<vmem>>[vector<16xi32>, vector<16xi32>], vector<16xf32>,
      } {sc.loop_unroll_factor = 8 : i64, sc.parallel_access}
      %dma_start3A_271 = arith.constant 1 : i32
      %dma_start3A_272 = arith.constant 0 : i32
      %dma_start3A_273 = arith.constant 0 : i32
      %dma_start3A_274 = tpu.memref_slice %arg7[%dma_start3A_271, %dma_start3A_272, %dma_start3A_273] : memref<2x64x129xf32, #tpu.memory_space<vmem>> -> memref<1x64x128xf32, #tpu.memory_space<vmem>>
      %dma_start3A_275 = tpu.memref_squeeze %dma_start3A_274 : memref<1x64x128xf32, #tpu.memory_space<vmem>> -> memref<64x128xf32, #tpu.memory_space<vmem>>
      %dma_start3A_276 = arith.constant 0 : i32
      %dma_start3A_277 = tpu.memref_slice %arg4[%add3A_249, %dma_start3A_276, %mul3A_2] : memref<200x64x4096xf32, #tpu.memory_space<hbm>> -> memref<1x64x128xf32, #tpu.memory_space<hbm>>
      %dma_start3A_278 = tpu.memref_squeeze %dma_start3A_277 : memref<1x64x128xf32, #tpu.memory_space<hbm>> -> memref<64x128xf32, #tpu.memory_space<hbm>>
      %dma_start3A_279 = arith.constant 0 : i32
      %dma_start3A_280 = tpu.memref_slice %arg4[%add3A_249, %dma_start3A_279, %mul3A_2] : memref<200x64x4096xf32, #tpu.memory_space<hbm>> -> memref<1x64x128xf32, #tpu.memory_space<hbm>>
      %dma_start3A_281 = tpu.memref_squeeze %dma_start3A_280 : memref<1x64x128xf32, #tpu.memory_space<hbm>> -> memref<64x128xf32, #tpu.memory_space<hbm>>
      %dma_start3A_282 = arith.constant 0 : i32
      %dma_start3A_283 = arith.constant 0 : i32
      %dma_start3A_284 = tpu.memref_slice %arg7[%dma_start3A_271, %dma_start3A_282, %dma_start3A_283] : memref<2x64x129xf32, #tpu.memory_space<vmem>> -> memref<1x64x128xf32, #tpu.memory_space<vmem>>
      %dma_start3A_285 = tpu.memref_squeeze %dma_start3A_284 : memref<1x64x128xf32, #tpu.memory_space<vmem>> -> memref<64x128xf32, #tpu.memory_space<vmem>>
      tpu.enqueue_dma source(%dma_start3A_285 : memref<64x128xf32, #tpu.memory_space<vmem>>) target(%dma_start3A_281 : memref<64x128xf32, #tpu.memory_space<hbm>>) target_semaphore(%arg13 : memref<!tpu.dma_semaphore, #tpu.memory_space<semaphore_mem>>)
      %add3A_286 = arith.constant 4 : i32
      %add3A_287 = arith.addi %add3A_249, %add3A_286 : i32
      %lt3A_288 = arith.constant 200 : i32
      %lt3A_289 = arith.cmpi slt, %add3A_287, %lt3A_288 : i32
      %convert_element_type3A_290 = arith.extui %lt3A_289 : i1 to i32
      %cond3A_291 = arith.constant 0 : i32
      %cond3A_292 = arith.cmpi ne, %convert_element_type3A_290, %cond3A_291 : i32
      scf.if %cond3A_292 {
        %add3A_293 = arith.constant 4 : i32
        %add3A_294 = arith.addi %add3A_249, %add3A_293 : i32
        %dma_start3A_295 = arith.constant 3 : i32
        %dma_start3A_296 = arith.constant 0 : i32
        %dma_start3A_297 = arith.constant 0 : i32
        %dma_start3A_298 = tpu.memref_slice %arg6[%dma_start3A_295, %dma_start3A_296, %dma_start3A_297] : memref<4x128x64xf32, #tpu.memory_space<vmem>> -> memref<1x128x64xf32, #tpu.memory_space<vmem>>
        %dma_start3A_299 = tpu.memref_squeeze %dma_start3A_298 : memref<1x128x64xf32, #tpu.memory_space<vmem>> -> memref<128x64xf32, #tpu.memory_space<vmem>>
        %dma_start3A_300 = arith.constant 0 : i32
        %dma_start3A_301 = tpu.memref_slice %arg5[%add3A_294, %dma_start3A_300] : memref<200x128xi32, #tpu.memory_space<vmem>> -> memref<1x128xi32, #tpu.memory_space<vmem>>
        %dma_start3A_302 = tpu.memref_squeeze %dma_start3A_301 : memref<1x128xi32, #tpu.memory_space<vmem>> -> memref<128xi32, #tpu.memory_space<vmem>>
        %dma_start3A_303 = arith.constant 0 : i32
        %dma_start3A_304 = arith.constant 0 : i32
        %dma_start3A_305 = tpu.memref_slice %arg3[%dma_start3A_303, %dma_start3A_304] : memref<1000000x64xf32, #tpu.memory_space<hbm>> -> memref<1000000x64xf32, #tpu.memory_space<hbm>>
        tpu.enqueue_indirect_dma source(%dma_start3A_305 : memref<1000000x64xf32, #tpu.memory_space<hbm>>) target(%dma_start3A_299 : memref<128x64xf32, #tpu.memory_space<vmem>>) offsets(%dma_start3A_302 : memref<128xi32, #tpu.memory_space<vmem>>) semaphore(%arg11 : memref<!tpu.dma_semaphore, #tpu.memory_space<semaphore_mem>>)
      } else {
      }
    }
    %scan3A_78 = arith.constant 50 : i32
    %dma_wait3A = arith.constant 0 : i32
    %dma_wait3A_79 = arith.constant 0 : i32
    %dma_wait3A_80 = arith.constant 0 : i32
    %dma_wait3A_81 = arith.constant 0 : i32
    %dma_wait3A_82 = tpu.memref_slice %arg7[%dma_wait3A, %dma_wait3A_80, %dma_wait3A_81] : memref<2x64x129xf32, #tpu.memory_space<vmem>> -> memref<1x64x128xf32, #tpu.memory_space<vmem>>
    %dma_wait3A_83 = tpu.memref_squeeze %dma_wait3A_82 : memref<1x64x128xf32, #tpu.memory_space<vmem>> -> memref<64x128xf32, #tpu.memory_space<vmem>>
    %dma_wait3A_84 = arith.constant 0 : i32
    %dma_wait3A_85 = tpu.memref_slice %arg4[%dma_wait3A_79, %dma_wait3A_84, %mul3A_2] : memref<200x64x4096xf32, #tpu.memory_space<hbm>> -> memref<1x64x128xf32, #tpu.memory_space<hbm>>
    %dma_wait3A_86 = tpu.memref_squeeze %dma_wait3A_85 : memref<1x64x128xf32, #tpu.memory_space<hbm>> -> memref<64x128xf32, #tpu.memory_space<hbm>>
    %dma_wait3A_87 = arith.constant 0 : i32
    %dma_wait3A_88 = tpu.memref_slice %arg4[%dma_wait3A_79, %dma_wait3A_87, %mul3A_2] : memref<200x64x4096xf32, #tpu.memory_space<hbm>> -> memref<1x64x128xf32, #tpu.memory_space<hbm>>
    %dma_wait3A_89 = tpu.memref_squeeze %dma_wait3A_88 : memref<1x64x128xf32, #tpu.memory_space<hbm>> -> memref<64x128xf32, #tpu.memory_space<hbm>>
    %dma_wait3A_90 = arith.constant 0 : i32
    %dma_wait3A_91 = arith.constant 0 : i32
    %dma_wait3A_92 = tpu.memref_slice %arg7[%dma_wait3A, %dma_wait3A_90, %dma_wait3A_91] : memref<2x64x129xf32, #tpu.memory_space<vmem>> -> memref<1x64x128xf32, #tpu.memory_space<vmem>>
    %dma_wait3A_93 = tpu.memref_squeeze %dma_wait3A_92 : memref<1x64x128xf32, #tpu.memory_space<vmem>> -> memref<64x128xf32, #tpu.memory_space<vmem>>
    tpu.wait_dma2 semaphore(%arg12 : memref<!tpu.dma_semaphore, #tpu.memory_space<semaphore_mem>>) src(%dma_wait3A_93 : memref<64x128xf32, #tpu.memory_space<vmem>>) dst(%dma_wait3A_89 : memref<64x128xf32, #tpu.memory_space<hbm>>)
    %dma_wait3A_94 = arith.constant 1 : i32
    %dma_wait3A_95 = arith.constant 0 : i32
    %dma_wait3A_96 = arith.constant 0 : i32
    %dma_wait3A_97 = arith.constant 0 : i32
    %dma_wait3A_98 = tpu.memref_slice %arg7[%dma_wait3A_94, %dma_wait3A_96, %dma_wait3A_97] : memref<2x64x129xf32, #tpu.memory_space<vmem>> -> memref<1x64x128xf32, #tpu.memory_space<vmem>>
    %dma_wait3A_99 = tpu.memref_squeeze %dma_wait3A_98 : memref<1x64x128xf32, #tpu.memory_space<vmem>> -> memref<64x128xf32, #tpu.memory_space<vmem>>
    %dma_wait3A_100 = arith.constant 0 : i32
    %dma_wait3A_101 = tpu.memref_slice %arg4[%dma_wait3A_95, %dma_wait3A_100, %mul3A_2] : memref<200x64x4096xf32, #tpu.memory_space<hbm>> -> memref<1x64x128xf32, #tpu.memory_space<hbm>>
    %dma_wait3A_102 = tpu.memref_squeeze %dma_wait3A_101 : memref<1x64x128xf32, #tpu.memory_space<hbm>> -> memref<64x128xf32, #tpu.memory_space<hbm>>
    %dma_wait3A_103 = arith.constant 0 : i32
    %dma_wait3A_104 = tpu.memref_slice %arg4[%dma_wait3A_95, %dma_wait3A_103, %mul3A_2] : memref<200x64x4096xf32, #tpu.memory_space<hbm>> -> memref<1x64x128xf32, #tpu.memory_space<hbm>>
    %dma_wait3A_105 = tpu.memref_squeeze %dma_wait3A_104 : memref<1x64x128xf32, #tpu.memory_space<hbm>> -> memref<64x128xf32, #tpu.memory_space<hbm>>
    %dma_wait3A_106 = arith.constant 0 : i32
    %dma_wait3A_107 = arith.constant 0 : i32
    %dma_wait3A_108 = tpu.memref_slice %arg7[%dma_wait3A_94, %dma_wait3A_106, %dma_wait3A_107] : memref<2x64x129xf32, #tpu.memory_space<vmem>> -> memref<1x64x128xf32, #tpu.memory_space<vmem>>
    %dma_wait3A_109 = tpu.memref_squeeze %dma_wait3A_108 : memref<1x64x128xf32, #tpu.memory_space<vmem>> -> memref<64x128xf32, #tpu.memory_space<vmem>>
    tpu.wait_dma2 semaphore(%arg13 : memref<!tpu.dma_semaphore, #tpu.memory_space<semaphore_mem>>) src(%dma_wait3A_109 : memref<64x128xf32, #tpu.memory_space<vmem>>) dst(%dma_wait3A_105 : memref<64x128xf32, #tpu.memory_space<hbm>>)
    return
  }
}

</mosaic_0001>

<sc_bundles>
// kernel: kernel.3.cloned.1.call-start
scs
__scs_entry_jumppad:
0x0: {  	(pc) =	sbr.rel $0x88, $3  }
0x1: {  	(tag) =	ssettag $0x0;
	lr =	simm.s32 $0x1  }
0x2: {  	[smem:$0x3F9F] =	sst lr;
	_ =	strace $0xD0000000  }
0x3: {  	_ = 	snop  }
0x4: {  	_ = 	snop  }
0x5: {  	_ = 	snop  }
0x6: {  	_ = 	snop  }
0x7: {  	_ = 	snop  }
__scs_overlays_trampoline_lowered:
0x8: {  	[smem:$0x3FAE] =	sst s0  }
0x9: {  	[smem:$0x3FAF] =	sst s1  }
0xa: {  	[smem:$0x3FB0] =	sst s2  }
0xb: {  	[smem:$0x3FB1] =	sst s3  }
0xc: {  	[smem:$0x3FB2] =	sst s4  }
0xd: {  	[smem:$0x3FB3] =	sst s5  }
0xe: {  	[smem:$0x3FB4] =	sst s6  }
0xf: {  	[smem:$0x3FB5] =	sst s7  }
0x10: {  	[smem:$0x3FB6] =	sst s8  }
0x11: {  	[smem:$0x3FB7] =	sst s9;
	s0 =	simm.s32 @!p0 $0x0  }
0x12: {  	s1 =	sld [smem:$0x3F9D];
	s0 =	simm.s32 @p0 $0x1  }
0x13: {  	[smem:$0x3FB8] =	sst s0;
	s0 =	simm.s32 @!p1 $0x0  }
0x14: {  	s2 =	sld [smem:$0x3F9C];
	s0 =	simm.s32 @p1 $0x1  }
0x15: {  	[smem:$0x3FB9] =	sst s0;
	s0 =	simm.s32 @!p2 $0x0  }
0x16: {  	s3 =	sld [smem:$0x3FDB];
	s0 =	simm.s32 @p2 $0x1  }
0x17: {  	s4 =	simm.s32 $0x1BF5;
	[smem:$0x3FBB] =	sst s0  }
0x18: {  	s0 =	sld [smem:$0x3F9E];
	_ =	swait.ge [sflag:s4], $0x0  }
0x19: {  	s7 =	sld [smem:$0x3F9F]  }
0x1a: {  	s8 =	sadd.s32 $0xFFFFE003, lr  }
0x1b: {  	s9 =	sadd.s32 $0xFFFFFEF7, lr;
	s5 =	simm.s32 $0xFFFFFFFF;
	p2 =	slt.u32 s8, $0xFFFFF086  }
0x1c: {  	p1 =	slt.u32 s9, $0xF7A;
	s5 =	simm.s32 @!p2 $0x0  }
0x1d: {  	s5 =	simm.s32 @p1 $0x1;
	p0 =	seq.s32 s7, s2  }
0x1e: {  	s7 =	smul.u32 @!p0 $0xF7A, s2;
	p2 =	seq.s32 @!p0 s5, $0x0  }
0x1f: {  	s9 =	smul.u32 $0xF7A, s1;
	s8 =	simm.s32 @!p0 $0x1BF5;
	p2 =	por !p2, p0  }
0x20: {  	[sflag:s8] =	ssyncset.s32 @!p0 $0xFFFFF086;
	s6 =	sadd.s32 @!p0 s3, s7;
	s7 =	simm.s32 @!p0 $0x108  }
0x21: {  	s3 =	sadd.s32 s3, s9;
	s6 =	sadd.s32 @!p0 $0x88, s6;
	s7 =	simm.s32 @p2 $0x1082  }
0x22: {  	[simem:s7], [sflag:s8] =	dma.local @!p0 [hbm:s6], $0xF7A  }
0x23: {  	s9 =	sor.u32 $0xD0000000, s2;
	s6 =	simm.s32 $0x108;
	_ =	swait.ge @!p0 [sflag:s8], $0x0  }
0x24: {  	s3 =	sadd.s32 $0x88, s3;
	s6 =	simm.s32 @!p1 $0x1082;
	[sflag:s4] =	ssyncset.s32 $0xFFFFF086  }
0x25: {  	[simem:s6], [sflag:s4] =	dma.local [hbm:s3], $0xF7A  }
0x26: {  	[smem:$0x3F9F] =	sst s1;
	(tag) =	ssettag s2;
	_ =	strace s9  }
0x27: {  	s1 =	sld [smem:$0x3FAF]  }
0x28: {  	s2 =	sld [smem:$0x3FB0]  }
0x29: {  	s4 =	sld [smem:$0x3FB2]  }
0x2a: {  	p0 =	seq.s32 s5, $0x0;
	s5 =	sld [smem:$0x3FB3]  }
0x2b: {  	s6 =	sld [smem:$0x3FB4]  }
0x2c: {  	s7 =	sld [smem:$0x3FB5]  }
0x2d: {  	s3 =	simm.s32 $0x108;
	s8 =	sld [smem:$0x3FB6]  }
0x2e: {  	s3 =	simm.s32 @!p0 $0x1082;
	s9 =	sld [smem:$0x3FB7]  }
0x2f: {  	lr =	sadd.s32 s0, s3;
	s0 =	sld [smem:$0x3FAE]  }
0x30: {  	s3 =	sld [smem:$0x3FB1]  }
0x31: {  	[smem:$0x3FBA] =	sst s10  }
0x32: {  	s10 =	sld [smem:$0x3FB8];
	_ =	sdelay $0x3  }
0x33: {  	p0 =	seq.s32 s10, $0x1;
	s10 =	sld [smem:$0x3FBA];
	_ =	sdelay $0x3  }
0x34: {  	[smem:$0x3FBA] =	sst s10  }
0x35: {  	s10 =	sld [smem:$0x3FB9];
	_ =	sdelay $0x3  }
0x36: {  	p1 =	seq.s32 s10, $0x1;
	s10 =	sld [smem:$0x3FBA];
	_ =	sdelay $0x3  }
0x37: {  	[smem:$0x3FBA] =	sst s10  }
0x38: {  	s10 =	sld [smem:$0x3FBB]  }
0x39: {  	_ = 	snop;
	(pc) =	sbr.ind lr, $3  }
0x3a: {  	_ = 	snop  }
0x3b: {  	_ = 	snop  }
0x3c: {  	p2 =	seq.s32 s10, $0x1;
	s10 =	sld [smem:$0x3FBA]  }
0x3d: {  	_ =	shalt  }
0x3e: {  	_ =	shalt  }
0x3f: {  	_ =	shalt  }
0x40: {  	_ =	shalt  }
0x41: {  	_ =	shalt  }
0x42: {  	_ =	shalt  }
0x43: {  	_ =	shalt  }
0x44: {  	_ =	shalt  }
0x45: {  	_ =	shalt  }
0x46: {  	_ =	shalt  }
0x47: {  	_ =	shalt  }
0x48: {  	_ =	shalt  }
0x49: {  	_ =	shalt  }
0x4a: {  	_ =	shalt  }
0x4b: {  	_ =	shalt  }
0x4c: {  	_ =	shalt  }
0x4d: {  	_ =	shalt  }
0x4e: {  	_ =	shalt  }
0x4f: {  	_ =	shalt  }
0x50: {  	_ =	shalt  }
0x51: {  	_ =	shalt  }
0x52: {  	_ =	shalt  }
0x53: {  	_ =	shalt  }
0x54: {  	_ =	shalt  }
0x55: {  	_ =	shalt  }
0x56: {  	_ =	shalt  }
0x57: {  	_ =	shalt  }
0x58: {  	_ =	shalt  }
0x59: {  	_ =	shalt  }
0x5a: {  	_ =	shalt  }
0x5b: {  	_ =	shalt  }
0x5c: {  	_ =	shalt  }
0x5d: {  	_ =	shalt  }
0x5e: {  	_ =	shalt  }
0x5f: {  	_ =	shalt  }
0x60: {  	_ =	shalt  }
0x61: {  	_ =	shalt  }
0x62: {  	_ =	shalt  }
0x63: {  	_ =	shalt  }
0x64: {  	_ =	shalt  }
0x65: {  	_ =	shalt  }
0x66: {  	_ =	shalt  }
0x67: {  	_ =	shalt  }
0x68: {  	_ =	shalt  }
0x69: {  	_ =	shalt  }
0x6a: {  	_ =	shalt  }
0x6b: {  	_ =	shalt  }
0x6c: {  	_ =	shalt  }
0x6d: {  	_ =	shalt  }
0x6e: {  	_ =	shalt  }
0x6f: {  	_ =	shalt  }
0x70: {  	_ =	shalt  }
0x71: {  	_ =	shalt  }
0x72: {  	_ =	shalt  }
0x73: {  	_ =	shalt  }
0x74: {  	_ =	shalt  }
0x75: {  	_ =	shalt  }
0x76: {  	_ =	shalt  }
0x77: {  	_ =	shalt  }
0x78: {  	_ =	shalt  }
0x79: {  	_ =	shalt  }
0x7a: {  	_ =	shalt  }
0x7b: {  	_ =	shalt  }
0x7c: {  	_ =	shalt  }
0x7d: {  	_ =	shalt  }
0x7e: {  	_ =	shalt  }
0x7f: {  	_ =	shalt  }
0x80: {  	_ =	shalt  }
0x81: {  	_ =	shalt  }
0x82: {  	_ =	shalt  }
0x83: {  	_ =	shalt  }
0x84: {  	_ =	shalt  }
0x85: {  	_ =	shalt  }
0x86: {  	_ =	shalt  }
0x87: {  	_ =	shalt  }
.Lfunc_end0:
.L_simem_size_0:
called_computation_lowered:
.L_overlay_start_0:
0x88: {  	s2 =	sld [smem:$0x3FD9]  }
0x89: {  	s3 =	sld [smem:$0x3FFE];
	_ =	sdelay $0x1  }
0x8a: {  	s1 =	srdreg.scid  }
0x8b: {  	s0 =	sand.u32 $0x1, s1  }
0x8c: {  	s17 =	sshll.u32 s0, $0xA;
	s2 =	sadd.s32 s3, s2  }
0x8d: {  	s2 =	sadd.s32 s2, s17  }
0x8e: {  	[smem:$0x3FC6] =	sst s2  }
0x8f: {  	_ = 	snop  }
0x90: {  	s2 =	sld [smem:$0x3FD0];
	(tm) =	ssettm $0x1  }
0x91: {  	s18 =	sld [smem:$0x3FFB];
	_ =	sdelay $0x3  }
0x92: {  	_ =	strace s18  }
0x93: {  	s3 =	sld [smem:$0x3FFC];
	_ =	sdelay $0x3  }
0x94: {  	_ =	strace s3  }
0x95: {  	s3 =	sld [smem:$0x3FFD];
	_ =	sdelay $0x3  }
0x96: {  	_ =	strace s3  }
0x97: {  	_ =	strace $0x8FFFFFFF  }
0x98: {  	s19 =	sld [smem:$0x3FDB];
	_ =	sdelay $0x1  }
0x99: {  	s4 =	simm.s32 $_scs_section_size  }
0x9a: {  	s5 =	simm.s32 $_size__tile_overlayer_lowered;
	s6 =	simm.s32 $_tile_overlayer_lowered  }
0x9b: {  	s22 =	simm.s32 $0x1BFF;
	s21 =	sshll.u32 s6, $0x1;
	s3 =	sadd.s32 s4, s19  }
0x9c: {  	s7 =	simm.s32 $0x0;
	s20 =	sshll.u32 s5, $0x1;
	s5 =	sadd.s32 s21, s3  }
0x9d: {  	[timem:s7], [sflag:s22] =	dma.local [hbm:s5], s20  }
0x9e: {  	_ =	swait.ge [sflag:s22], s20  }
0x9f: {  	s4 =	ssub.s32 $0x0, s20;
	[sflag:s22] =	ssyncset.done $0x0  }
0xa0: {  	[sflag:s22] =	ssyncadd.s32 s4;
	_ =	sdelay $0x1  }
0xa1: {  	s23 =	simm.s32 $0x1B8B  }
0xa2: {  	_ =	swait.ge [sflag:s23], $0x1  }
0xa3: {  	[sflag:s23] =	ssyncset.done $0x0  }
0xa4: {  	s25 =	simm.s32 $0x1B8E;
	s24 =	sld [smem:$0x3FFE];
	[sflag:s23] =	ssyncadd.s32 $0xFFFFFFFF  }
0xa5: {  	s26 =	simm.s32 $execute0_lowered;
	[smem:$0x3FD2] =	sst s25  }
0xa6: {  	s5 =	sshll.u32 s26, $0x1;
	_ =	strace $0x80000046;
	[dreg:$0x1] =	wrdreg $0xFFFFFFFF  }
0xa7: {  	s28 =	simm.s32 $_size_execute0_lowered;
	s3 =	sadd.s32 s3, s5;
	[dreg:$0x0] =	wrdreg $0x0  }
0xa8: {  	s5 =	sshll.u32 s28, $0x1;
	[dreg:$0x2] =	wrdreg s3  }
0xa9: {  	[dreg:$0x3] =	wrdreg s5  }
0xaa: {  	[dreg:$0x4] =	wrdreg $0xC0  }
0xab: {  	_ =	task [dreg:s7], $0x5FFFF  }
0xac: {  	[dreg:$0x1] =	wrdreg $0xFFFFFFFF  }
0xad: {  	[dreg:$0x0] =	wrdreg $0x60  }
0xae: {  	[dreg:$0x2] =	wrdreg s2  }
0xaf: {  	[dreg:$0x3] =	wrdreg s24  }
0xb0: {  	[dreg:$0x4] =	wrdreg $0x9  }
0xb1: {  	_ =	task.clear_ibuf [dreg:s7], $0x5FFFF;
	_ =	strace $0x90000046  }
0xb2: {  	s29 =	simm.s32 $0x9;
	_ =	strace $0x80000048  }
0xb3: {  	_ =	swait.ge [sflag:s29], $0x1  }
0xb4: {  	[sflag:s29] =	ssyncadd.s32 $0xFFFFFFFF  }
0xb5: {  	_ =	strace $0x90000048  }
0xb6: {  	_ =	sfence  }
0xb7: {  	s30 =	sld [smem:$0x0];
	_ =	sdelay $0x2  }
0xb8: {  	s31 =	sshll.u32 s1, $0xD;
	s1 =	sshrl.u32 s1, $0x2  }
0xb9: {  	s3 =	sand.u32 $0x4000, s31;
	s1 =	sadd.s32 s1, s30  }
0xba: {  	s0 =	sor.u32 s3, s0;
	s1 =	sshll.u32 s1, $0x11  }
0xbb: {  	s0 =	sor.u32 s1, s0  }
0xbc: {  	s0 =	sadd.s32 $0x8F2B, s0  }
0xbd: {  	[sflag:s0] =	ssyncadd.remote.s32 $0x1  }
0xbe: {  	_ =	sfence.sel $0xFFFF  }
0xbf: {  	[dreg:$0x0] =	wrdreg $0xFFFFFFFF;
	(pc) =	sbr.abs _section_cstart, $3  }
0xc0: {  	[dreg:$0x1] =	wrdreg $0xFFFFFFFF  }
0xc1: {  	_ =	task.clear_ibuf [dreg:s7], $0x2FFFF;
	_ =	strace $0x9FFFFFFF  }
0xc2: {  	(tm) =	ssettm $0x7FFFFFFF  }
0xc3: {  	_ =	shalt  }
tec
execute0_lowered:
.L_overlay_start_1:
0x0: {  	(tag) =	ssettag $0x1  }
0x1: {  	v0 =	vlaneseq.u32  }
0x2: {  	s0 =	rddreg [dreg:$0x0];
	v0 =	vmul.u32 $0x88, v0  }
0x3: {  	s1 =	rddreg [dreg:$0x1];
	s2 =	simm.s32 $0x0;
	v1 =	vimm.s32 $0x0;
	vm0 =	vcmask $0x300  }
0x4: {  	s3 =	srdreg.scid;
	s5 =	stileid.u32;
	s11 =	simm.s32 $0x80;
	v1 =	vsel vm0, $0x3, v1;
	v2 =	vadd.s32 $0x880, v0  }
0x5: {  	s13 =	simm.s32 $0x7;
	s14 =	simm.s32 $0x6400;
	s19 =	simm.s32 $0xC400;
	v3 =	vadd.s32 $0x1100, v0;
	v4 =	vadd.s32 $0x1980, v0;
	v5 =	vor.u32 $0x1, v0  }
0x6: {  	s20 =	simm.s32 $0x1;
	s21 =	simm.s32 $0xE400;
	s22 =	simm.s32 $0x2;
	v6 =	vadd.s32 $0x881, v0;
	v7 =	vadd.s32 $0x1101, v0;
	v8 =	vadd.s32 $0x1981, v0  }
0x7: {  	s23 =	simm.s32 $0x6;
	s24 =	simm.s32 $0x10600;
	s25 =	simm.s32 $0x3;
	v9 =	vor.u32 $0x2, v0;
	v10 =	vadd.s32 $0x882, v0;
	v11 =	vadd.s32 $0x1102, v0  }
0x8: {  	s26 =	simm.s32 $0x5;
	s28 =	simm.s32 $0x4;
	s29 =	simm.s32 $0x0;
	v12 =	vadd.s32 $0x1982, v0;
	v13 =	vor.u32 $0x3, v0;
	v14 =	vadd.s32 $0x883, v0  }
0x9: {  	[smem:$0x7FF] =	sst s2;
	s4 =	sand.u32 $0x1, s3;
	s3 =	sadd.s32 $0xF42A00, s1;
	v15 =	vadd.s32 $0x1103, v0;
	v16 =	vadd.s32 $0x1983, v0;
	v17 =	vor.u32 $0x4, v0  }
.Ltmp0:
0xa: {  	s5 =	sshll.u32 s5, $0x8;
	s9 =	sadd.s32 $0x18600, s1;
	v18 =	vadd.s32 $0x884, v0;
	v19 =	vadd.s32 $0x1104, v0;
	v20 =	vadd.s32 $0x1984, v0;
	(pc) =	sbr.rel .LBB2_1-.Ltmp0, $4  }
0xb: {  	_ =	strace $0x80000047;
	s6 =	sshll.u32 s4, $0x7;
	s7 =	ssub.s32 $0x2, s4;
	v21 =	vor.u32 $0x5, v0;
	v22 =	vadd.s32 $0x885, v0;
	v23 =	vadd.s32 $0x1105, v0  }
0xc: {  	s4 =	sor.u32 s6, s5;
	s5 =	sadd.s32 $0x600, s1;
	s31 =	sshrl.u32 s7, $0x1;
	v24 =	vadd.s32 $0x1985, v0;
	v25 =	vor.u32 $0x6, v0;
	v26 =	vadd.s32 $0x886, v0  }
0xd: {  	v27 =	vadd.s32 $0x1106, v0;
	v28 =	vadd.s32 $0x1986, v0;
	v29 =	vor.u32 $0x7, v0;
	s8 =	sshrl.u32 s4, $0x3;
	s10 =	ssub.s32 s7, s31;
	s7 =	sadd.s32 $0x8600, s1  }
0xe: {  	v30 =	vadd.s32 $0x887, v0;
	v31 =	vadd.s32 $0x1107, v0;
	v32 =	vadd.s32 $0x1987, v0;
	s6 =	sadd.s32 s0, s8;
	s8 =	sadd.s32 $0x10600, s1;
	s10 =	smax.u32 s10, $0x1  }
.LBB2_24:
0xf: {  	s29 =	sadd.s32 $0x1, s29  }
0x10: {  	_ =	swait.ge [sflag:s26], $0x2000;
	p0 =	sne.s32 s29, s10  }
.Ltmp1:
0x11: {  	[sflag:s26] =	ssyncset.done $0x0;
	(pc) =	sbr.rel @!p0 .LBB2_25-.Ltmp1, $4  }
0x12: {  	[sflag:s26] =	ssyncadd.s32 $0xFFFFE000  }
0x13: {  	_ =	swait.ge [sflag:s23], $0x2000  }
0x14: {  	[sflag:s23] =	ssyncset.done $0x0  }
0x15: {  	[sflag:s23] =	ssyncadd.s32 $0xFFFFE000  }
.LBB2_1:
0x16: {  	s0 =	simm.s32 $0x1000  }
0x17: {  	[tilespmem:s2], [sflag:$0x7] =	stream.strided.gather [hbm4b:s6+s11], $0x6400, s0, s11, $0x38;
	[tilespmem:$0x12800] =	vst v63  }
0x18: {  	_ =	swait.ge [sflag:s13], $0x6400  }
0x19: {  	[sflag:s13] =	ssyncset.done $0x0  }
0x1a: {  	[sflag:s13] =	ssyncadd.s32 $0xFFFF9C00  }
0x1b: {  	[tilespmem:s14], [sflag:$0x1] =	stream.indirect.gather [hbm4b:s3+s11], $0x40, s2, s11, $0xb8;
	[tilespmem:$0x12800] =	vst v63  }
0x1c: {  	s17 =	simm.s32 $0x8400  }
0x1d: {  	[tilespmem:s17], [sflag:$0x2] =	stream.indirect.gather [hbm4b:s3+s11], $0x40, s11, s11, $0xb8;
	[tilespmem:$0x12800] =	vst v63  }
0x1e: {  	s18 =	simm.s32 $0x100;
	s1 =	simm.s32 $0xA400  }
0x1f: {  	[tilespmem:s1], [sflag:$0x3] =	stream.indirect.gather [hbm4b:s3+s11], $0x40, s18, s11, $0xb8;
	[tilespmem:$0x12800] =	vst v63  }
0x20: {  	s31 =	simm.s32 $0x180;
	s30 =	simm.s32 $0x0  }
0x21: {  	[tilespmem:s19], [sflag:$0x4] =	stream.indirect.gather [hbm4b:s3+s11], $0x40, s31, s11, $0xb8;
	[tilespmem:$0x12800] =	vst v63  }
.LBB2_2:
0x22: {  	s0 =	simm.s32 $0x0;
	s16 =	simm.s32 $0x1;
	s1 =	simm.s32 $0x2  }
0x23: {  	s17 =	simm.s32 $0x3;
	s18 =	simm.s32 $0x4;
	s12 =	simm.s32 $0x7;
	v33 =	vmov s0;
	v34 =	vmov s16;
	v35 =	vmov s1  }
0x24: {  	_ =	swait.ge [sflag:s20], $0x2000;
	s15 =	simm.s32 $0x5;
	v36 =	vmov s17;
	v37 =	vmov s18;
	v38 =	vmov s12  }
0x25: {  	p0 =	seq.s32 s30, $0x0;
	[sflag:s20] =	ssyncset.done $0x0;
	v39 =	vmov s15;
	s16 =	simm.s32 $0x6;
	v33 =	vshrl.u32 v33, $0x3;
	v38 =	vshrl.u32 v38, $0x3  }
0x26: {  	s1 =	simm.s32 @!p0 $0x5;
	[sflag:s20] =	ssyncadd.s32 $0xFFFFE000;
	v40 =	vmov s16;
	v34 =	vshrl.u32 v34, $0x3;
	v35 =	vshrl.u32 v35, $0x3  }
0x27: {  	v36 =	vshrl.u32 v36, $0x3;
	v37 =	vshrl.u32 v37, $0x3;
	_ =	swait.ge @!p0 [sflag:s1], $0x2000;
	v38 =	vshll.u32 v38, v1  }
0x28: {  	v55 =	vshrl.u32 v39, $0x3;
	v33 =	vshll.u32 v33, v1;
	[sflag:s1] =	ssyncset.done @!p0 $0x0;
	v38 =	vbroadcast v38, $0x0  }
0x29: {  	s0 =	simm.s32 $0x6500;
	v34 =	vshll.u32 v34, v1;
	v51 =	vshll.u32 v35, v1;
	v33 =	vbroadcast v33, $0x0;
	[sflag:s1] =	ssyncadd.s32 @!p0 $0xFFFFE000  }
0x2a: {  	v52 =	vshll.u32 v36, v1;
	v47 =	vbroadcast v34, $0x0;
	v41 =	vld [tilespmem:s0+$0xC0];
	v42 =	vadd.s32 v29, v38  }
0x2b: {  	v54 =	vshll.u32 v37, v1;
	v53 =	vbroadcast v51, $0x0;
	v43 =	vld [tilespmem:s0+$0xFFFFFF00];
	v44 =	vadd.s32 v0, v33  }
0x2c: {  	v36 =	vshll.u32 v55, v1;
	v35 =	vbroadcast v52, $0x0;
	v45 =	vld [tilespmem:s0+$0xFFFFFF40];
	v46 =	vadd.s32 v5, v47  }
0x2d: {  	v40 =	vshrl.u32 v40, $0x3;
	v34 =	vbroadcast v54, $0x0;
	v48 =	vld [tilespmem:s0+$0xFFFFFF80];
	v49 =	vadd.s32 v9, v53  }
0x2e: {  	v37 =	vbroadcast v36, $0x0;
	v56 =	vshll.u32 v40, v1;
	v39 =	vld [tilespmem:s0+$0xFFFFFFC0];
	v50 =	vadd.s32 v13, v35  }
0x2f: {  	v36 =	vbroadcast v56, $0x0;
	v51 =	vld [tilespmem:s0+$0x0];
	v52 =	vadd.s32 v17, v34;
	[tilespmem:v42+s21+$0x0] =	vst.idx.msk $0xffff, v41  }
0x30: {  	v59 =	vld [tilespmem:s0+$0x40];
	v60 =	vadd.s32 v21, v37;
	[tilespmem:v44+s21+$0x0] =	vst.idx.msk $0xffff, v43  }
0x31: {  	v61 =	vld [tilespmem:s0+$0x80];
	v62 =	vadd.s32 v25, v36;
	[tilespmem:v46+s21+$0x0] =	vst.idx.msk $0xffff, v45  }
0x32: {  	v58 =	vadd.s32 v30, v38;
	[tilespmem:v49+s21+$0x0] =	vst.idx.msk $0xffff, v48;
	v57 =	vld [tilespmem:s0+$0xD0]  }
0x33: {  	v63 =	vadd.s32 v6, v47;
	[tilespmem:v50+s21+$0x0] =	vst.idx.msk $0xffff, v39;
	v46 =	vld [tilespmem:s0+$0xFFFFFF50]  }
0x34: {  	v55 =	vadd.s32 v10, v53;
	[tilespmem:v52+s21+$0x0] =	vst.idx.msk $0xffff, v51;
	v54 =	vld [tilespmem:s0+$0xFFFFFF90]  }
0x35: {  	v56 =	vadd.s32 v14, v35;
	[tilespmem:v60+s21+$0x0] =	vst.idx.msk $0xffff, v59;
	v50 =	vld [tilespmem:s0+$0xFFFFFFD0]  }
0x36: {  	v45 =	vadd.s32 v22, v37;
	[tilespmem:v62+s21+$0x0] =	vst.idx.msk $0xffff, v61;
	v44 =	vld [tilespmem:s0+$0x50]  }
0x37: {  	v59 =	vadd.s32 v18, v34;
	[tilespmem:v58+s21+$0x0] =	vst.idx.msk $0xffff, v57;
	v58 =	vld [tilespmem:s0+$0x10]  }
0x38: {  	v57 =	vadd.s32 v31, v38;
	[tilespmem:v63+s21+$0x0] =	vst.idx.msk $0xffff, v46;
	v40 =	vld [tilespmem:s0+$0xE0]  }
0x39: {  	v60 =	vadd.s32 v26, v36;
	[tilespmem:v55+s21+$0x0] =	vst.idx.msk $0xffff, v54;
	v63 =	vld [tilespmem:s0+$0x90]  }
0x3a: {  	v61 =	vld [tilespmem:s0+$0xFFFFFF10];
	v62 =	vadd.s32 v2, v33;
	[tilespmem:v56+s21+$0x0] =	vst.idx.msk $0xffff, v50  }
0x3b: {  	v51 =	vadd.s32 v7, v47;
	[tilespmem:v45+s21+$0x0] =	vst.idx.msk $0xffff, v44;
	v50 =	vld [tilespmem:s0+$0xFFFFFF60]  }
0x3c: {  	v56 =	vadd.s32 v11, v53;
	v55 =	vld [tilespmem:s0+$0xFFFFFFA0];
	[tilespmem:v59+s21+$0x0] =	vst.idx.msk $0xffff, v58  }
0x3d: {  	v58 =	vadd.s32 v15, v35;
	[tilespmem:v57+s21+$0x0] =	vst.idx.msk $0xffff, v40;
	v57 =	vld [tilespmem:s0+$0xFFFFFFE0]  }
0x3e: {  	[tilespmem:v60+s21+$0x0] =	vst.idx.msk $0xffff, v63;
	v60 =	vadd.s32 v19, v34;
	v59 =	vld [tilespmem:s0+$0x20]  }
0x3f: {  	s18 =	simm.s32 $0x9;
	v38 =	vadd.s32 v32, v38;
	[tilespmem:v62+s21+$0x0] =	vst.idx.msk $0xffff, v61;
	v54 =	vld [tilespmem:s0+$0xF0]  }
0x40: {  	s17 =	simm.s32 $0x8;
	v41 =	vadd.s32 v23, v37;
	v52 =	vmov s18;
	[tilespmem:v51+s21+$0x0] =	vst.idx.msk $0xffff, v50;
	v40 =	vld [tilespmem:s0+$0x60]  }
0x41: {  	s15 =	simm.s32 $0xB;
	s16 =	simm.s32 $0xC;
	v43 =	vadd.s32 v27, v36;
	v48 =	vadd.s32 v3, v33;
	v63 =	vmov s17;
	v42 =	vld [tilespmem:s0+$0xA0];
	[tilespmem:v56+s21+$0x0] =	vst.idx.msk $0xffff, v55  }
0x42: {  	s18 =	simm.s32 $0xE;
	v44 =	vmov s15;
	v46 =	vmov s16;
	v45 =	vld [tilespmem:s0+$0xFFFFFF20];
	v39 =	vshrl.u32 v63, $0x3;
	[tilespmem:v58+s21+$0x0] =	vst.idx.msk $0xffff, v57  }
0x43: {  	s12 =	simm.s32 $0xA;
	s17 =	simm.s32 $0xD;
	v51 =	vadd.s32 v8, v47;
	v49 =	vld [tilespmem:s0+$0xFFFFFF70];
	v47 =	vshll.u32 v39, v1;
	v39 =	vmov s18;
	[tilespmem:v60+s21+$0x0] =	vst.idx.msk $0xffff, v59  }
0x44: {  	s31 =	sshll.u32 s30, $0xB;
	s1 =	simm.s32 $0x10;
	v53 =	vadd.s32 v12, v53;
	v50 =	vld [tilespmem:s0+$0xFFFFFFB0];
	[tilespmem:v38+s21+$0x0] =	vst.idx.msk $0xffff, v54;
	v54 =	vmov s12;
	v38 =	vmov s17;
	s12 =	simm.s32 $0xF  }
.LBB2_3:
0x45: {  	p1 =	slt.u32 s1, $0x78;
	v52 =	vshrl.u32 v52, $0x3;
	v55 =	vmov s12;
	v56 =	vld [tilespmem:s0+$0xFFFFFFF0];
	v35 =	vadd.s32 v16, v35;
	[tilespmem:v41+s21+$0x0] =	vst.idx.msk $0xffff, v40  }
0x46: {  	v40 =	vshrl.u32 v54, $0x3;
	v34 =	vadd.s32 v20, v34;
	v41 =	vshrl.u32 v55, $0x3;
	v54 =	vld [tilespmem:s0+$0x30];
	[tilespmem:v43+s21+$0x0] =	vst.idx.msk $0xffff, v42  }
0x47: {  	v37 =	vadd.s32 v24, v37;
	v42 =	vshrl.u32 v44, $0x3;
	v41 =	vshll.u32 v41, v1;
	[tilespmem:v48+s21+$0x0] =	vst.idx.msk $0xffff, v45;
	v43 =	vld [tilespmem:s0+$0x70]  }
0x48: {  	v36 =	vadd.s32 v28, v36;
	v44 =	vshrl.u32 v46, $0x3;
	v41 =	vbroadcast v41, $0x0;
	[tilespmem:v51+s21+$0x0] =	vst.idx.msk $0xffff, v49;
	v45 =	vld [tilespmem:s0+$0xB0]  }
0x49: {  	v46 =	vshll.u32 v52, v1;
	v49 =	vadd.s32 v4, v33;
	v33 =	vbroadcast v47, $0x0;
	v48 =	vld [tilespmem:s0+$0xFFFFFF30];
	[tilespmem:v53+s21+$0x0] =	vst.idx.msk $0xffff, v50;
	s0 =	sadd.s32 $0x200, s0  }
0x4a: {  	v40 =	vshll.u32 v40, v1;
	v47 =	vbroadcast v46, $0x0;
	v46 =	vld [tilespmem:s0+$0xC0];
	v50 =	vadd.s32 v29, v41;
	[tilespmem:v35+s21+$0x0] =	vst.idx.msk $0xffff, v56  }
0x4b: {  	v53 =	vbroadcast v40, $0x0;
	v52 =	vadd.s32 v0, v33;
	v35 =	vshll.u32 v42, v1;
	v51 =	vld [tilespmem:s0+$0xFFFFFF00];
	[tilespmem:v34+s21+$0x0] =	vst.idx.msk $0xffff, v54  }
0x4c: {  	v42 =	vadd.s32 v5, v47;
	v35 =	vbroadcast v35, $0x0;
	v34 =	vshll.u32 v44, v1;
	v40 =	vld [tilespmem:s0+$0xFFFFFF40];
	[tilespmem:v37+s21+$0x0] =	vst.idx.msk $0xffff, v43  }
0x4d: {  	v44 =	vadd.s32 v9, v53;
	v34 =	vbroadcast v34, $0x0;
	v37 =	vshrl.u32 v38, $0x3;
	v43 =	vld [tilespmem:s0+$0xFFFFFF80];
	[tilespmem:v36+s21+$0x0] =	vst.idx.msk $0xffff, v45  }
0x4e: {  	v39 =	vshrl.u32 v39, $0x3;
	v45 =	vadd.s32 v13, v35;
	v36 =	vshll.u32 v37, v1;
	v38 =	vld [tilespmem:s0+$0xFFFFFFC0];
	[tilespmem:v49+s21+$0x0] =	vst.idx.msk $0xffff, v48  }
0x4f: {  	v49 =	vadd.s32 v17, v34;
	v37 =	vbroadcast v36, $0x0;
	v36 =	vshll.u32 v39, v1;
	v48 =	vld [tilespmem:s0+$0x0];
	[tilespmem:v50+s21+$0x0] =	vst.idx.msk $0xffff, v46  }
0x50: {  	v36 =	vbroadcast v36, $0x0;
	v46 =	vadd.s32 v30, v41;
	[tilespmem:v52+s21+$0x0] =	vst.idx.msk $0xffff, v51;
	v39 =	vld [tilespmem:s0+$0xD0]  }
0x51: {  	[tilespmem:v42+s21+$0x0] =	vst.idx.msk $0xffff, v40;
	v40 =	vld [tilespmem:s0+$0x40];
	v42 =	vadd.s32 v21, v37  }
0x52: {  	[tilespmem:v44+s21+$0x0] =	vst.idx.msk $0xffff, v43;
	v43 =	vld [tilespmem:s0+$0x80];
	v44 =	vadd.s32 v25, v36  }
0x53: {  	v51 =	vadd.s32 v6, v47;
	v50 =	vld [tilespmem:s0+$0xFFFFFF50];
	[tilespmem:v45+s21+$0x0] =	vst.idx.msk $0xffff, v38  }
0x54: {  	v45 =	vadd.s32 v10, v53;
	v38 =	vld [tilespmem:s0+$0xFFFFFF90];
	[tilespmem:v49+s21+$0x0] =	vst.idx.msk $0xffff, v48  }
0x55: {  	v49 =	vadd.s32 v14, v35;
	v48 =	vld [tilespmem:s0+$0xFFFFFFD0];
	[tilespmem:v46+s21+$0x0] =	vst.idx.msk $0xffff, v39  }
0x56: {  	[tilespmem:v42+s21+$0x0] =	vst.idx.msk $0xffff, v40;
	v39 =	vld [tilespmem:s0+$0xE0];
	v40 =	vadd.s32 v31, v41  }
0x57: {  	v46 =	vadd.s32 v18, v34;
	v42 =	vld [tilespmem:s0+$0x10];
	[tilespmem:v44+s21+$0x0] =	vst.idx.msk $0xffff, v43  }
0x58: {  	v44 =	vadd.s32 v22, v37;
	[tilespmem:v51+s21+$0x0] =	vst.idx.msk $0xffff, v50;
	v43 =	vld [tilespmem:s0+$0x50]  }
0x59: {  	[tilespmem:v45+s21+$0x0] =	vst.idx.msk $0xffff, v38;
	v38 =	vld [tilespmem:s0+$0x90];
	v45 =	vadd.s32 v26, v36  }
0x5a: {  	v51 =	vadd.s32 v2, v33;
	v50 =	vld [tilespmem:s0+$0xFFFFFF10];
	[tilespmem:v49+s21+$0x0] =	vst.idx.msk $0xffff, v48  }
0x5b: {  	v49 =	vadd.s32 v7, v47;
	v48 =	vld [tilespmem:s0+$0xFFFFFF60];
	[tilespmem:v40+s21+$0x0] =	vst.idx.msk $0xffff, v39  }
0x5c: {  	[tilespmem:v46+s21+$0x0] =	vst.idx.msk $0xffff, v42;
	v39 =	vld [tilespmem:s0+$0xF0];
	v46 =	vadd.s32 v32, v41  }
0x5d: {  	v56 =	vadd.s32 v11, v53;
	v55 =	vld [tilespmem:s0+$0xFFFFFFA0];
	[tilespmem:v44+s21+$0x0] =	vst.idx.msk $0xffff, v43  }
0x5e: {  	v58 =	vadd.s32 v15, v35;
	v57 =	vld [tilespmem:s0+$0xFFFFFFE0];
	[tilespmem:v45+s21+$0x0] =	vst.idx.msk $0xffff, v38  }
0x5f: {  	v60 =	vadd.s32 v19, v34;
	[tilespmem:v51+s21+$0x0] =	vst.idx.msk $0xffff, v50;
	v59 =	vld [tilespmem:s0+$0x20]  }
.Ltmp2:
0x60: {  	s12 =	sadd.s32 $0x1, s1;
	v41 =	vadd.s32 v23, v37;
	v38 =	vmov s1;
	[tilespmem:v49+s21+$0x0] =	vst.idx.msk $0xffff, v48;
	v40 =	vld [tilespmem:s0+$0x60];
	(pc) =	sbr.rel @p1 .LBB2_3-.Ltmp2, $4  }
0x61: {  	s15 =	sadd.s32 $0x3, s1;
	v52 =	vmov s12;
	s12 =	sadd.s32 $0x2, s1;
	v43 =	vadd.s32 v27, v36;
	v50 =	vshrl.u32 v38, $0x3;
	v42 =	vld [tilespmem:s0+$0xA0];
	[tilespmem:v46+s21+$0x0] =	vst.idx.msk $0xffff, v39  }
0x62: {  	v54 =	vmov s12;
	s12 =	sadd.s32 $0x4, s1;
	v44 =	vmov s15;
	s15 =	sadd.s32 $0x5, s1;
	v48 =	vadd.s32 v3, v33;
	v45 =	vld [tilespmem:s0+$0xFFFFFF20];
	[tilespmem:v56+s21+$0x0] =	vst.idx.msk $0xffff, v55  }
0x63: {  	v38 =	vmov s15;
	v51 =	vadd.s32 v8, v47;
	v46 =	vmov s12;
	s12 =	sadd.s32 $0x6, s1;
	v49 =	vld [tilespmem:s0+$0xFFFFFF70];
	[tilespmem:v58+s21+$0x0] =	vst.idx.msk $0xffff, v57  }
0x64: {  	v53 =	vadd.s32 v12, v53;
	v47 =	vshll.u32 v50, v1;
	v39 =	vmov s12;
	s12 =	sadd.s32 $0x7, s1;
	s1 =	sadd.s32 $0x8, s1;
	v50 =	vld [tilespmem:s0+$0xFFFFFFB0];
	[tilespmem:v60+s21+$0x0] =	vst.idx.msk $0xffff, v59  }
0x65: {  	_ =	sdelay $0x2  }
0x66: {  	v52 =	vshrl.u32 v52, $0x3  }
0x67: {  	v55 =	vmov s12;
	v56 =	vld [tilespmem:s0+$0xFFFFFFF0];
	v35 =	vadd.s32 v16, v35;
	[tilespmem:v41+s21+$0x0] =	vst.idx.msk $0xffff, v40;
	v57 =	vshrl.u32 v54, $0x3  }
0x68: {  	v59 =	vld [tilespmem:s0+$0x30];
	v34 =	vadd.s32 v20, v34;
	v60 =	vshrl.u32 v44, $0x3;
	v58 =	vshrl.u32 v55, $0x3;
	[tilespmem:v43+s21+$0x0] =	vst.idx.msk $0xffff, v42  }
0x69: {  	v37 =	vadd.s32 v24, v37;
	v62 =	vshrl.u32 v46, $0x3;
	v61 =	vld [tilespmem:s0+$0x70];
	v41 =	vshll.u32 v58, v1;
	[tilespmem:v48+s21+$0x0] =	vst.idx.msk $0xffff, v45  }
0x6a: {  	v36 =	vadd.s32 v28, v36;
	v46 =	vbroadcast v47, $0x0;
	v63 =	vld [tilespmem:s0+$0xB0];
	v41 =	vbroadcast v41, $0x0;
	[tilespmem:v51+s21+$0x0] =	vst.idx.msk $0xffff, v49  }
0x6b: {  	v33 =	vadd.s32 v4, v33;
	s17 =	sadd.s32 $0x200, s0;
	v38 =	vshrl.u32 v38, $0x3;
	v55 =	vshll.u32 v52, v1;
	v48 =	vld [tilespmem:s0+$0xFFFFFF30];
	[tilespmem:v53+s21+$0x0] =	vst.idx.msk $0xffff, v50  }
0x6c: {  	v40 =	vshll.u32 v57, v1;
	v47 =	vbroadcast v55, $0x0;
	v49 =	vld [tilespmem:s17+$0xC0];
	v50 =	vadd.s32 v29, v41;
	[tilespmem:v35+s21+$0x0] =	vst.idx.msk $0xffff, v56  }
0x6d: {  	v42 =	vshll.u32 v60, v1;
	v40 =	vbroadcast v40, $0x0;
	v35 =	vld [tilespmem:s17+$0xFFFFFF00];
	v56 =	vadd.s32 v0, v46;
	[tilespmem:v34+s21+$0x0] =	vst.idx.msk $0xffff, v59  }
0x6e: {  	v57 =	vld [tilespmem:s17+$0xFFFFFF40];
	v44 =	vshll.u32 v62, v1;
	v42 =	vbroadcast v42, $0x0;
	v58 =	vadd.s32 v5, v47;
	[tilespmem:v37+s21+$0x0] =	vst.idx.msk $0xffff, v61  }
0x6f: {  	v38 =	vshll.u32 v38, v1;
	v44 =	vbroadcast v44, $0x0;
	v60 =	vadd.s32 v9, v40;
	v59 =	vld [tilespmem:s17+$0xFFFFFF80];
	[tilespmem:v36+s21+$0x0] =	vst.idx.msk $0xffff, v63  }
0x70: {  	v38 =	vbroadcast v38, $0x0;
	v62 =	vadd.s32 v13, v42;
	v61 =	vld [tilespmem:s17+$0xFFFFFFC0];
	[tilespmem:v33+s21+$0x0] =	vst.idx.msk $0xffff, v48  }
0x71: {  	v39 =	vshrl.u32 v39, $0x3;
	v63 =	vadd.s32 v17, v44;
	v33 =	vld [tilespmem:s17+$0x0];
	[tilespmem:v50+s21+$0x0] =	vst.idx.msk $0xffff, v49  }
0x72: {  	v39 =	vshll.u32 v39, v1;
	v34 =	vld [tilespmem:s17+$0x40];
	[tilespmem:v56+s21+$0x0] =	vst.idx.msk $0xffff, v35;
	v56 =	vadd.s32 v21, v38  }
0x73: {  	[tilespmem:v58+s21+$0x0] =	vst.idx.msk $0xffff, v57;
	v35 =	vbroadcast v39, $0x0;
	v49 =	vadd.s32 v30, v41;
	v39 =	vld [tilespmem:s17+$0xD0]  }
0x74: {  	[tilespmem:v60+s21+$0x0] =	vst.idx.msk $0xffff, v59;
	v59 =	vld [tilespmem:s17+$0xFFFFFF50];
	v60 =	vadd.s32 v6, v47  }
0x75: {  	v57 =	vld [tilespmem:s17+$0x80];
	[tilespmem:v62+s21+$0x0] =	vst.idx.msk $0xffff, v61;
	v58 =	vadd.s32 v25, v35  }
0x76: {  	v61 =	vld [tilespmem:s17+$0xFFFFFF90];
	v62 =	vadd.s32 v10, v40;
	[tilespmem:v63+s21+$0x0] =	vst.idx.msk $0xffff, v33  }
0x77: {  	v33 =	vld [tilespmem:s17+$0xFFFFFFD0];
	v63 =	vadd.s32 v14, v42;
	[tilespmem:v56+s21+$0x0] =	vst.idx.msk $0xffff, v34  }
0x78: {  	v56 =	vadd.s32 v18, v44;
	[tilespmem:v49+s21+$0x0] =	vst.idx.msk $0xffff, v39;
	v49 =	vld [tilespmem:s17+$0x10]  }
0x79: {  	[tilespmem:v60+s21+$0x0] =	vst.idx.msk $0xffff, v59;
	v39 =	vadd.s32 v31, v41;
	v34 =	vld [tilespmem:s17+$0xE0]  }
0x7a: {  	[tilespmem:v58+s21+$0x0] =	vst.idx.msk $0xffff, v57;
	v57 =	vld [tilespmem:s17+$0x50];
	v58 =	vadd.s32 v22, v38  }
0x7b: {  	[tilespmem:v62+s21+$0x0] =	vst.idx.msk $0xffff, v61;
	v61 =	vld [tilespmem:s17+$0xFFFFFF10];
	v62 =	vadd.s32 v2, v46  }
0x7c: {  	v60 =	vadd.s32 v26, v35;
	v59 =	vld [tilespmem:s17+$0x90];
	[tilespmem:v63+s21+$0x0] =	vst.idx.msk $0xffff, v33  }
0x7d: {  	v55 =	vadd.s32 v11, v40;
	v54 =	vadd.s32 v32, v41;
	v41 =	vld [tilespmem:s17+$0xFFFFFFA0];
	[tilespmem:v56+s21+$0x0] =	vst.idx.msk $0xffff, v49  }
0x7e: {  	v53 =	vadd.s32 v7, v47;
	v63 =	vld [tilespmem:s17+$0xFFFFFF60];
	[tilespmem:v39+s21+$0x0] =	vst.idx.msk $0xffff, v34  }
0x7f: {  	v56 =	vld [tilespmem:s17+$0xFFFFFFE0];
	[tilespmem:v58+s21+$0x0] =	vst.idx.msk $0xffff, v57;
	v57 =	vadd.s32 v15, v42  }
0x80: {  	[tilespmem:v62+s21+$0x0] =	vst.idx.msk $0xffff, v61;
	v34 =	vld [tilespmem:s17+$0xF0]  }
0x81: {  	v58 =	vld [tilespmem:s17+$0x20];
	[tilespmem:v60+s21+$0x0] =	vst.idx.msk $0xffff, v59;
	v59 =	vadd.s32 v19, v44  }
0x82: {  	v61 =	vadd.s32 v23, v38;
	[tilespmem:v55+s21+$0x0] =	vst.idx.msk $0xffff, v41;
	v60 =	vld [tilespmem:s17+$0x60]  }
0x83: {  	[tilespmem:v53+s21+$0x0] =	vst.idx.msk $0xffff, v63;
	v63 =	vadd.s32 v27, v35;
	v62 =	vld [tilespmem:s17+$0xA0]  }
0x84: {  	v47 =	vadd.s32 v8, v47;
	v55 =	vld [tilespmem:s17+$0xFFFFFF70];
	[tilespmem:v57+s21+$0x0] =	vst.idx.msk $0xffff, v56  }
0x85: {  	v53 =	vld [tilespmem:s17+$0xFFFFFF20];
	[tilespmem:v54+s21+$0x0] =	vst.idx.msk $0xffff, v34;
	v54 =	vadd.s32 v3, v46  }
0x86: {  	v40 =	vadd.s32 v12, v40;
	v56 =	vld [tilespmem:s17+$0xFFFFFFB0];
	[tilespmem:v59+s21+$0x0] =	vst.idx.msk $0xffff, v58  }
0x87: {  	v42 =	vadd.s32 v16, v42;
	v57 =	vld [tilespmem:s17+$0xFFFFFFF0];
	[tilespmem:v61+s21+$0x0] =	vst.idx.msk $0xffff, v60  }
0x88: {  	v59 =	vadd.s32 v20, v44;
	v58 =	vld [tilespmem:s17+$0x30];
	[tilespmem:v63+s21+$0x0] =	vst.idx.msk $0xffff, v62  }
0x89: {  	v38 =	vadd.s32 v24, v38;
	v60 =	vld [tilespmem:s17+$0x70];
	[tilespmem:v47+s21+$0x0] =	vst.idx.msk $0xffff, v55  }
0x8a: {  	v35 =	vadd.s32 v28, v35;
	v61 =	vld [tilespmem:s17+$0xB0];
	[tilespmem:v54+s21+$0x0] =	vst.idx.msk $0xffff, v53  }
0x8b: {  	v63 =	vadd.s32 v4, v46;
	[tilespmem:v40+s21+$0x0] =	vst.idx.msk $0xffff, v56;
	v62 =	vld [tilespmem:s17+$0xFFFFFF30]  }
0x8c: {  	s18 =	sshll.u32 s30, $0x14;
	[tilespmem:v42+s21+$0x0] =	vst.idx.msk $0xffff, v57  }
0x8d: {  	s0 =	sor.u32 s4, s18;
	[tilespmem:v59+s21+$0x0] =	vst.idx.msk $0xffff, v58  }
0x8e: {  	s0 =	sshrl.u32 s0, $0x3;
	[tilespmem:v38+s21+$0x0] =	vst.idx.msk $0xffff, v60  }
0x8f: {  	s12 =	simm.s32 $0xE400;
	s1 =	sadd.s32 s5, s0;
	[tilespmem:v35+s21+$0x0] =	vst.idx.msk $0xffff, v61  }
0x90: {  	s15 =	simm.s32 $0x200;
	s16 =	simm.s32 $0xE488;
	s17 =	sadd.s32 $0x0, s1;
	[tilespmem:v63+s21+$0x0] =	vst.idx.msk $0xffff, v62  }
.LBB2_5:
0x91: {  	[hbm4b:s17+s2] =	stream.linear.scatter [tilespmem:s12], [sflag:$0x5], $0x80, $0x38;
	[tilespmem:$0x12800] =	vst v63  }
0x92: {  	s17 =	smov.u32 s15;
	s12 =	smov.u32 s16;
	p1 =	sne.s32 s15, $0x7E00  }
.Ltmp3:
0x93: {  	s15 =	sadd.s32 $0x200, s15;
	(pc) =	sbr.rel @p1 .LBB2_5-.Ltmp3, $2  }
0x94: {  	_ =	sdelay $0x2  }
0x95: {  	s16 =	sadd.s32 $0x88, s16;
	s17 =	sadd.s32 s17, s1  }
0x96: {  	p1 =	sne.s32 s30, $0x31  }
.Ltmp4:
0x97: {  	_ = 	snop;
	(pc) =	sbr.rel @p1 .LBB2_8-.Ltmp4, $2  }
0x98: {  	_ =	sdelay $0x2  }
0x99: {  	[hbm4b:s17+s2] =	stream.linear.scatter [tilespmem:s12], [sflag:$0x5], $0x80, $0x38;
	[tilespmem:$0x12800] =	vst v63  }
.Ltmp5:
0x9a: {  	(pc) =	sbr.rel .LBB2_9-.Ltmp5, $4  }
0x9b: {  	_ = 	snop  }
0x9c: {  	_ =	swait.ge [sflag:s22], $0x2000  }
0x9d: {  	[sflag:s22] =	ssyncset.done $0x0  }
0x9e: {  	[sflag:s22] =	ssyncadd.s32 $0xFFFFE000  }
.LBB2_8:
0x9f: {  	s1 =	sshrl.u32 s31, $0x2  }
.Ltmp6:
0xa0: {  	s1 =	sadd.s32 $0x200, s1;
	(pc) =	sbr.rel @p0 .LBB2_10-.Ltmp6, $4  }
0xa1: {  	[tilespmem:s14], [sflag:$0x1] =	stream.indirect.gather [hbm4b:s3+s11], $0x40, s1, s11, $0xb8;
	[tilespmem:$0x12800] =	vst v63  }
0xa2: {  	_ =	swait.ge [sflag:s22], $0x2000  }
0xa3: {  	[sflag:s22] =	ssyncset.done $0x0  }
0xa4: {  	[sflag:s22] =	ssyncadd.s32 $0xFFFFE000  }
.LBB2_9:
0xa5: {  	_ =	swait.ge [sflag:s23], $0x2000  }
0xa6: {  	[sflag:s23] =	ssyncset.done $0x0  }
0xa7: {  	[sflag:s23] =	ssyncadd.s32 $0xFFFFE000  }
.LBB2_10:
0xa8: {  	s1 =	simm.s32 $0x0;
	s15 =	simm.s32 $0x1;
	s12 =	simm.s32 $0x2  }
0xa9: {  	s16 =	simm.s32 $0x3;
	s17 =	simm.s32 $0x4;
	s18 =	simm.s32 $0x5;
	v33 =	vmov s1;
	v34 =	vmov s15;
	v35 =	vmov s12  }
0xaa: {  	s15 =	simm.s32 $0x7;
	v36 =	vmov s16;
	v37 =	vmov s17;
	v39 =	vmov s18;
	s12 =	simm.s32 $0x6  }
0xab: {  	v33 =	vshrl.u32 v33, $0x3;
	v38 =	vmov s15;
	v40 =	vmov s12  }
0xac: {  	v34 =	vshrl.u32 v34, $0x3;
	v35 =	vshrl.u32 v35, $0x3;
	v36 =	vshrl.u32 v36, $0x3  }
0xad: {  	v37 =	vshrl.u32 v37, $0x3;
	v55 =	vshrl.u32 v39, $0x3;
	v33 =	vshll.u32 v33, v1  }
0xae: {  	v38 =	vshrl.u32 v38, $0x3;
	v34 =	vshll.u32 v34, v1;
	v33 =	vbroadcast v33, $0x0  }
0xaf: {  	s1 =	simm.s32 $0x85F0;
	v52 =	vshll.u32 v35, v1;
	v38 =	vshll.u32 v38, v1;
	v45 =	vbroadcast v34, $0x0  }
0xb0: {  	v43 =	vld [tilespmem:s1+$0xFFFFFE10];
	v53 =	vshll.u32 v36, v1;
	v38 =	vbroadcast v38, $0x0;
	v44 =	vadd.s32 v0, v33  }
0xb1: {  	v46 =	vld [tilespmem:s1+$0xFFFFFE50];
	v54 =	vshll.u32 v37, v1;
	v52 =	vbroadcast v52, $0x0;
	v47 =	vadd.s32 v5, v45  }
0xb2: {  	v41 =	vld [tilespmem:s1+$0xFFFFFFD0];
	v36 =	vshll.u32 v55, v1;
	v35 =	vbroadcast v53, $0x0;
	v42 =	vadd.s32 v29, v38  }
0xb3: {  	v48 =	vld [tilespmem:s1+$0xFFFFFE90];
	v40 =	vshrl.u32 v40, $0x3;
	v34 =	vbroadcast v54, $0x0;
	v49 =	vadd.s32 v9, v52  }
0xb4: {  	v39 =	vld [tilespmem:s1+$0xFFFFFED0];
	v37 =	vbroadcast v36, $0x0;
	v56 =	vshll.u32 v40, v1;
	v50 =	vadd.s32 v13, v35  }
0xb5: {  	v51 =	vld [tilespmem:s1+$0xFFFFFF10];
	v36 =	vbroadcast v56, $0x0;
	v53 =	vadd.s32 v17, v34;
	[tilespmem:v44+s24+$0x0] =	vst.idx.msk $0xffff, v43  }
0xb6: {  	v59 =	vld [tilespmem:s1+$0xFFFFFF50];
	v60 =	vadd.s32 v21, v37;
	[tilespmem:v47+s24+$0x0] =	vst.idx.msk $0xffff, v46  }
0xb7: {  	v61 =	vld [tilespmem:s1+$0xFFFFFF90];
	v62 =	vadd.s32 v25, v36;
	[tilespmem:v42+s24+$0x0] =	vst.idx.msk $0xffff, v41  }
0xb8: {  	v58 =	vadd.s32 v30, v38;
	[tilespmem:v49+s24+$0x0] =	vst.idx.msk $0xffff, v48;
	v57 =	vld [tilespmem:s1+$0xFFFFFFE0]  }
0xb9: {  	v63 =	vadd.s32 v6, v45;
	[tilespmem:v50+s24+$0x0] =	vst.idx.msk $0xffff, v39;
	v47 =	vld [tilespmem:s1+$0xFFFFFE60]  }
0xba: {  	v55 =	vadd.s32 v10, v52;
	[tilespmem:v53+s24+$0x0] =	vst.idx.msk $0xffff, v51;
	v54 =	vld [tilespmem:s1+$0xFFFFFEA0]  }
0xbb: {  	v56 =	vadd.s32 v14, v35;
	[tilespmem:v60+s24+$0x0] =	vst.idx.msk $0xffff, v59;
	v50 =	vld [tilespmem:s1+$0xFFFFFEE0]  }
0xbc: {  	v46 =	vadd.s32 v22, v37;
	[tilespmem:v62+s24+$0x0] =	vst.idx.msk $0xffff, v61;
	v44 =	vld [tilespmem:s1+$0xFFFFFF60]  }
0xbd: {  	v59 =	vadd.s32 v18, v34;
	[tilespmem:v58+s24+$0x0] =	vst.idx.msk $0xffff, v57;
	v58 =	vld [tilespmem:s1+$0xFFFFFF20]  }
0xbe: {  	[tilespmem:v63+s24+$0x0] =	vst.idx.msk $0xffff, v47;
	v57 =	vadd.s32 v31, v38;
	v40 =	vld [tilespmem:s1+$0xFFFFFFF0]  }
0xbf: {  	v61 =	vld [tilespmem:s1+$0xFFFFFE20];
	v62 =	vadd.s32 v2, v33;
	[tilespmem:v55+s24+$0x0] =	vst.idx.msk $0xffff, v54  }
0xc0: {  	v60 =	vadd.s32 v26, v36;
	v63 =	vld [tilespmem:s1+$0xFFFFFFA0];
	[tilespmem:v56+s24+$0x0] =	vst.idx.msk $0xffff, v50  }
0xc1: {  	v51 =	vadd.s32 v7, v45;
	[tilespmem:v46+s24+$0x0] =	vst.idx.msk $0xffff, v44;
	v50 =	vld [tilespmem:s1+$0xFFFFFE70]  }
0xc2: {  	v56 =	vadd.s32 v11, v52;
	v55 =	vld [tilespmem:s1+$0xFFFFFEB0];
	[tilespmem:v59+s24+$0x0] =	vst.idx.msk $0xffff, v58  }
0xc3: {  	v58 =	vadd.s32 v15, v35;
	[tilespmem:v57+s24+$0x0] =	vst.idx.msk $0xffff, v40;
	v57 =	vld [tilespmem:s1+$0xFFFFFEF0]  }
0xc4: {  	[tilespmem:v62+s24+$0x0] =	vst.idx.msk $0xffff, v61;
	v38 =	vadd.s32 v32, v38;
	v54 =	vld [tilespmem:s1+$0x0]  }
0xc5: {  	s16 =	simm.s32 $0x9;
	[tilespmem:v60+s24+$0x0] =	vst.idx.msk $0xffff, v63;
	v60 =	vadd.s32 v19, v34;
	v59 =	vld [tilespmem:s1+$0xFFFFFF30]  }
0xc6: {  	s18 =	simm.s32 $0xB;
	v53 =	vmov s16;
	v41 =	vadd.s32 v23, v37;
	[tilespmem:v51+s24+$0x0] =	vst.idx.msk $0xffff, v50;
	v40 =	vld [tilespmem:s1+$0xFFFFFF70]  }
0xc7: {  	s15 =	simm.s32 $0x8;
	v43 =	vadd.s32 v27, v36;
	s16 =	simm.s32 $0xC;
	v48 =	vadd.s32 v3, v33;
	v44 =	vmov s18;
	v42 =	vld [tilespmem:s1+$0xFFFFFFB0];
	[tilespmem:v56+s24+$0x0] =	vst.idx.msk $0xffff, v55  }
0xc8: {  	s17 =	simm.s32 $0xA;
	v47 =	vmov s16;
	v52 =	vadd.s32 v12, v52;
	v46 =	vld [tilespmem:s1+$0xFFFFFE30];
	v63 =	vmov s15;
	[tilespmem:v58+s24+$0x0] =	vst.idx.msk $0xffff, v57  }
0xc9: {  	s18 =	simm.s32 $0xE;
	v39 =	vshrl.u32 v63, $0x3;
	v51 =	vadd.s32 v8, v45;
	v49 =	vld [tilespmem:s1+$0xFFFFFE80];
	[tilespmem:v38+s24+$0x0] =	vst.idx.msk $0xffff, v54;
	v54 =	vmov s17;
	s17 =	simm.s32 $0xD  }
0xca: {  	s12 =	simm.s32 $0x10;
	s15 =	simm.s32 $0xF;
	v45 =	vshll.u32 v39, v1;
	v39 =	vmov s18;
	v50 =	vld [tilespmem:s1+$0xFFFFFEC0];
	[tilespmem:v60+s24+$0x0] =	vst.idx.msk $0xffff, v59;
	v38 =	vmov s17  }
.LBB2_11:
0xcb: {  	p0 =	slt.u32 s12, $0x78;
	v53 =	vshrl.u32 v53, $0x3;
	v55 =	vmov s15;
	v56 =	vld [tilespmem:s1+$0xFFFFFF00];
	v35 =	vadd.s32 v16, v35;
	[tilespmem:v41+s24+$0x0] =	vst.idx.msk $0xffff, v40  }
0xcc: {  	v40 =	vshrl.u32 v54, $0x3;
	v34 =	vadd.s32 v20, v34;
	v41 =	vshrl.u32 v55, $0x3;
	v54 =	vld [tilespmem:s1+$0xFFFFFF40];
	[tilespmem:v43+s24+$0x0] =	vst.idx.msk $0xffff, v42  }
0xcd: {  	v37 =	vadd.s32 v24, v37;
	v42 =	vshrl.u32 v44, $0x3;
	v41 =	vshll.u32 v41, v1;
	[tilespmem:v48+s24+$0x0] =	vst.idx.msk $0xffff, v46;
	v43 =	vld [tilespmem:s1+$0xFFFFFF80]  }
0xce: {  	v36 =	vadd.s32 v28, v36;
	v44 =	vshrl.u32 v47, $0x3;
	v41 =	vbroadcast v41, $0x0;
	[tilespmem:v51+s24+$0x0] =	vst.idx.msk $0xffff, v49;
	v46 =	vld [tilespmem:s1+$0xFFFFFFC0]  }
0xcf: {  	v47 =	vshll.u32 v53, v1;
	v49 =	vadd.s32 v4, v33;
	v33 =	vbroadcast v45, $0x0;
	v48 =	vld [tilespmem:s1+$0xFFFFFE40];
	[tilespmem:v52+s24+$0x0] =	vst.idx.msk $0xffff, v50;
	s1 =	sadd.s32 $0x200, s1  }
0xd0: {  	v40 =	vshll.u32 v40, v1;
	v45 =	vbroadcast v47, $0x0;
	v47 =	vld [tilespmem:s1+$0xFFFFFFD0];
	v50 =	vadd.s32 v29, v41;
	[tilespmem:v35+s24+$0x0] =	vst.idx.msk $0xffff, v56  }
0xd1: {  	v55 =	vbroadcast v40, $0x0;
	v52 =	vadd.s32 v0, v33;
	v35 =	vshll.u32 v42, v1;
	v51 =	vld [tilespmem:s1+$0xFFFFFE10];
	[tilespmem:v34+s24+$0x0] =	vst.idx.msk $0xffff, v54  }
0xd2: {  	v42 =	vadd.s32 v5, v45;
	v35 =	vbroadcast v35, $0x0;
	v34 =	vshll.u32 v44, v1;
	v40 =	vld [tilespmem:s1+$0xFFFFFE50];
	[tilespmem:v37+s24+$0x0] =	vst.idx.msk $0xffff, v43  }
0xd3: {  	v44 =	vadd.s32 v9, v55;
	v34 =	vbroadcast v34, $0x0;
	v37 =	vshrl.u32 v38, $0x3;
	v43 =	vld [tilespmem:s1+$0xFFFFFE90];
	[tilespmem:v36+s24+$0x0] =	vst.idx.msk $0xffff, v46  }
0xd4: {  	v39 =	vshrl.u32 v39, $0x3;
	v46 =	vadd.s32 v13, v35;
	v36 =	vshll.u32 v37, v1;
	v38 =	vld [tilespmem:s1+$0xFFFFFED0];
	[tilespmem:v49+s24+$0x0] =	vst.idx.msk $0xffff, v48  }
0xd5: {  	v49 =	vadd.s32 v17, v34;
	v37 =	vbroadcast v36, $0x0;
	v36 =	vshll.u32 v39, v1;
	v48 =	vld [tilespmem:s1+$0xFFFFFF10];
	[tilespmem:v50+s24+$0x0] =	vst.idx.msk $0xffff, v47  }
0xd6: {  	v36 =	vbroadcast v36, $0x0;
	v47 =	vadd.s32 v30, v41;
	[tilespmem:v52+s24+$0x0] =	vst.idx.msk $0xffff, v51;
	v39 =	vld [tilespmem:s1+$0xFFFFFFE0]  }
0xd7: {  	[tilespmem:v42+s24+$0x0] =	vst.idx.msk $0xffff, v40;
	v40 =	vld [tilespmem:s1+$0xFFFFFF50];
	v42 =	vadd.s32 v21, v37  }
0xd8: {  	[tilespmem:v44+s24+$0x0] =	vst.idx.msk $0xffff, v43;
	v43 =	vld [tilespmem:s1+$0xFFFFFF90];
	v44 =	vadd.s32 v25, v36  }
0xd9: {  	v51 =	vadd.s32 v6, v45;
	v50 =	vld [tilespmem:s1+$0xFFFFFE60];
	[tilespmem:v46+s24+$0x0] =	vst.idx.msk $0xffff, v38  }
0xda: {  	v46 =	vadd.s32 v10, v55;
	v38 =	vld [tilespmem:s1+$0xFFFFFEA0];
	[tilespmem:v49+s24+$0x0] =	vst.idx.msk $0xffff, v48  }
0xdb: {  	v49 =	vadd.s32 v14, v35;
	v48 =	vld [tilespmem:s1+$0xFFFFFEE0];
	[tilespmem:v47+s24+$0x0] =	vst.idx.msk $0xffff, v39  }
0xdc: {  	[tilespmem:v42+s24+$0x0] =	vst.idx.msk $0xffff, v40;
	v39 =	vld [tilespmem:s1+$0xFFFFFFF0];
	v40 =	vadd.s32 v31, v41  }
0xdd: {  	v47 =	vadd.s32 v18, v34;
	v42 =	vld [tilespmem:s1+$0xFFFFFF20];
	[tilespmem:v44+s24+$0x0] =	vst.idx.msk $0xffff, v43  }
0xde: {  	v44 =	vadd.s32 v22, v37;
	[tilespmem:v51+s24+$0x0] =	vst.idx.msk $0xffff, v50;
	v43 =	vld [tilespmem:s1+$0xFFFFFF60]  }
0xdf: {  	[tilespmem:v46+s24+$0x0] =	vst.idx.msk $0xffff, v38;
	v38 =	vld [tilespmem:s1+$0xFFFFFFA0];
	v46 =	vadd.s32 v26, v36  }
0xe0: {  	v51 =	vadd.s32 v2, v33;
	v50 =	vld [tilespmem:s1+$0xFFFFFE20];
	[tilespmem:v49+s24+$0x0] =	vst.idx.msk $0xffff, v48  }
0xe1: {  	v49 =	vadd.s32 v7, v45;
	v48 =	vld [tilespmem:s1+$0xFFFFFE70];
	[tilespmem:v40+s24+$0x0] =	vst.idx.msk $0xffff, v39  }
0xe2: {  	[tilespmem:v47+s24+$0x0] =	vst.idx.msk $0xffff, v42;
	v39 =	vld [tilespmem:s1+$0x0];
	v47 =	vadd.s32 v32, v41  }
0xe3: {  	v56 =	vadd.s32 v11, v55;
	v52 =	vld [tilespmem:s1+$0xFFFFFEB0];
	[tilespmem:v44+s24+$0x0] =	vst.idx.msk $0xffff, v43  }
0xe4: {  	v58 =	vadd.s32 v15, v35;
	v57 =	vld [tilespmem:s1+$0xFFFFFEF0];
	[tilespmem:v46+s24+$0x0] =	vst.idx.msk $0xffff, v38  }
0xe5: {  	v60 =	vadd.s32 v19, v34;
	[tilespmem:v51+s24+$0x0] =	vst.idx.msk $0xffff, v50;
	v59 =	vld [tilespmem:s1+$0xFFFFFF30]  }
.Ltmp7:
0xe6: {  	s15 =	sadd.s32 $0x1, s12;
	v41 =	vadd.s32 v23, v37;
	v38 =	vmov s12;
	[tilespmem:v49+s24+$0x0] =	vst.idx.msk $0xffff, v48;
	v40 =	vld [tilespmem:s1+$0xFFFFFF70];
	(pc) =	sbr.rel @p0 .LBB2_11-.Ltmp7, $4  }
0xe7: {  	s16 =	sadd.s32 $0x3, s12;
	v53 =	vmov s15;
	s15 =	sadd.s32 $0x2, s12;
	v43 =	vadd.s32 v27, v36;
	v50 =	vshrl.u32 v38, $0x3;
	v42 =	vld [tilespmem:s1+$0xFFFFFFB0];
	[tilespmem:v47+s24+$0x0] =	vst.idx.msk $0xffff, v39  }
0xe8: {  	v54 =	vmov s15;
	s15 =	sadd.s32 $0x4, s12;
	v44 =	vmov s16;
	s16 =	sadd.s32 $0x5, s12;
	v48 =	vadd.s32 v3, v33;
	v46 =	vld [tilespmem:s1+$0xFFFFFE30];
	[tilespmem:v56+s24+$0x0] =	vst.idx.msk $0xffff, v52  }
0xe9: {  	v38 =	vmov s16;
	v51 =	vadd.s32 v8, v45;
	v47 =	vmov s15;
	s15 =	sadd.s32 $0x6, s12;
	v49 =	vld [tilespmem:s1+$0xFFFFFE80];
	[tilespmem:v58+s24+$0x0] =	vst.idx.msk $0xffff, v57  }
0xea: {  	v45 =	vshll.u32 v50, v1;
	v39 =	vmov s15;
	s15 =	sadd.s32 $0x7, s12;
	s12 =	sadd.s32 $0x8, s12;
	v52 =	vadd.s32 v12, v55;
	v50 =	vld [tilespmem:s1+$0xFFFFFEC0];
	[tilespmem:v60+s24+$0x0] =	vst.idx.msk $0xffff, v59  }
0xeb: {  	_ =	sdelay $0x2  }
0xec: {  	v53 =	vshrl.u32 v53, $0x3  }
0xed: {  	v55 =	vmov s15;
	v56 =	vld [tilespmem:s1+$0xFFFFFF00];
	v35 =	vadd.s32 v16, v35;
	[tilespmem:v41+s24+$0x0] =	vst.idx.msk $0xffff, v40;
	v57 =	vshrl.u32 v54, $0x3  }
0xee: {  	v59 =	vld [tilespmem:s1+$0xFFFFFF40];
	v34 =	vadd.s32 v20, v34;
	v60 =	vshrl.u32 v44, $0x3;
	v58 =	vshrl.u32 v55, $0x3;
	[tilespmem:v43+s24+$0x0] =	vst.idx.msk $0xffff, v42  }
0xef: {  	v37 =	vadd.s32 v24, v37;
	v62 =	vshrl.u32 v47, $0x3;
	v61 =	vld [tilespmem:s1+$0xFFFFFF80];
	v41 =	vshll.u32 v58, v1;
	[tilespmem:v48+s24+$0x0] =	vst.idx.msk $0xffff, v46  }
0xf0: {  	v36 =	vadd.s32 v28, v36;
	v45 =	vbroadcast v45, $0x0;
	v63 =	vld [tilespmem:s1+$0xFFFFFFC0];
	v41 =	vbroadcast v41, $0x0;
	[tilespmem:v51+s24+$0x0] =	vst.idx.msk $0xffff, v49  }
0xf1: {  	v33 =	vadd.s32 v4, v33;
	s18 =	sadd.s32 $0x200, s1;
	v38 =	vshrl.u32 v38, $0x3;
	v55 =	vshll.u32 v53, v1;
	v48 =	vld [tilespmem:s1+$0xFFFFFE40];
	[tilespmem:v52+s24+$0x0] =	vst.idx.msk $0xffff, v50  }
0xf2: {  	v40 =	vshll.u32 v57, v1;
	v47 =	vbroadcast v55, $0x0;
	v49 =	vld [tilespmem:s18+$0xFFFFFFD0];
	v50 =	vadd.s32 v29, v41;
	[tilespmem:v35+s24+$0x0] =	vst.idx.msk $0xffff, v56  }
0xf3: {  	v42 =	vshll.u32 v60, v1;
	v40 =	vbroadcast v40, $0x0;
	v35 =	vld [tilespmem:s18+$0xFFFFFE10];
	v56 =	vadd.s32 v0, v45;
	[tilespmem:v34+s24+$0x0] =	vst.idx.msk $0xffff, v59  }
0xf4: {  	v57 =	vld [tilespmem:s18+$0xFFFFFE50];
	v44 =	vshll.u32 v62, v1;
	v42 =	vbroadcast v42, $0x0;
	v58 =	vadd.s32 v5, v47;
	[tilespmem:v37+s24+$0x0] =	vst.idx.msk $0xffff, v61  }
0xf5: {  	v38 =	vshll.u32 v38, v1;
	v44 =	vbroadcast v44, $0x0;
	v60 =	vadd.s32 v9, v40;
	v59 =	vld [tilespmem:s18+$0xFFFFFE90];
	[tilespmem:v36+s24+$0x0] =	vst.idx.msk $0xffff, v63  }
0xf6: {  	v38 =	vbroadcast v38, $0x0;
	v62 =	vadd.s32 v13, v42;
	v61 =	vld [tilespmem:s18+$0xFFFFFED0];
	[tilespmem:v33+s24+$0x0] =	vst.idx.msk $0xffff, v48  }
0xf7: {  	v39 =	vshrl.u32 v39, $0x3;
	v63 =	vadd.s32 v17, v44;
	v33 =	vld [tilespmem:s18+$0xFFFFFF10];
	[tilespmem:v50+s24+$0x0] =	vst.idx.msk $0xffff, v49  }
0xf8: {  	v39 =	vshll.u32 v39, v1;
	v34 =	vld [tilespmem:s18+$0xFFFFFF50];
	[tilespmem:v56+s24+$0x0] =	vst.idx.msk $0xffff, v35;
	v56 =	vadd.s32 v21, v38  }
0xf9: {  	[tilespmem:v58+s24+$0x0] =	vst.idx.msk $0xffff, v57;
	v35 =	vbroadcast v39, $0x0;
	v49 =	vadd.s32 v30, v41;
	v39 =	vld [tilespmem:s18+$0xFFFFFFE0]  }
0xfa: {  	[tilespmem:v60+s24+$0x0] =	vst.idx.msk $0xffff, v59;
	v59 =	vld [tilespmem:s18+$0xFFFFFE60];
	v60 =	vadd.s32 v6, v47  }
0xfb: {  	v57 =	vld [tilespmem:s18+$0xFFFFFF90];
	[tilespmem:v62+s24+$0x0] =	vst.idx.msk $0xffff, v61;
	v58 =	vadd.s32 v25, v35  }
0xfc: {  	v61 =	vld [tilespmem:s18+$0xFFFFFEA0];
	v62 =	vadd.s32 v10, v40;
	[tilespmem:v63+s24+$0x0] =	vst.idx.msk $0xffff, v33  }
0xfd: {  	v33 =	vld [tilespmem:s18+$0xFFFFFEE0];
	v63 =	vadd.s32 v14, v42;
	[tilespmem:v56+s24+$0x0] =	vst.idx.msk $0xffff, v34  }
0xfe: {  	v56 =	vadd.s32 v18, v44;
	[tilespmem:v49+s24+$0x0] =	vst.idx.msk $0xffff, v39;
	v49 =	vld [tilespmem:s18+$0xFFFFFF20]  }
0xff: {  	[tilespmem:v60+s24+$0x0] =	vst.idx.msk $0xffff, v59;
	v39 =	vadd.s32 v31, v41;
	v34 =	vld [tilespmem:s18+$0xFFFFFFF0]  }
0x100: {  	[tilespmem:v58+s24+$0x0] =	vst.idx.msk $0xffff, v57;
	v57 =	vld [tilespmem:s18+$0xFFFFFF60];
	v58 =	vadd.s32 v22, v38  }
0x101: {  	[tilespmem:v62+s24+$0x0] =	vst.idx.msk $0xffff, v61;
	v61 =	vld [tilespmem:s18+$0xFFFFFE20];
	v62 =	vadd.s32 v2, v45  }
0x102: {  	v60 =	vadd.s32 v26, v35;
	v59 =	vld [tilespmem:s18+$0xFFFFFFA0];
	[tilespmem:v63+s24+$0x0] =	vst.idx.msk $0xffff, v33  }
0x103: {  	v55 =	vadd.s32 v11, v40;
	v54 =	vadd.s32 v32, v41;
	v41 =	vld [tilespmem:s18+$0xFFFFFEB0];
	[tilespmem:v56+s24+$0x0] =	vst.idx.msk $0xffff, v49  }
0x104: {  	v53 =	vadd.s32 v7, v47;
	v63 =	vld [tilespmem:s18+$0xFFFFFE70];
	[tilespmem:v39+s24+$0x0] =	vst.idx.msk $0xffff, v34  }
0x105: {  	v56 =	vld [tilespmem:s18+$0xFFFFFEF0];
	[tilespmem:v58+s24+$0x0] =	vst.idx.msk $0xffff, v57;
	v57 =	vadd.s32 v15, v42  }
0x106: {  	[tilespmem:v62+s24+$0x0] =	vst.idx.msk $0xffff, v61;
	v34 =	vld [tilespmem:s18+$0x0]  }
0x107: {  	v58 =	vld [tilespmem:s18+$0xFFFFFF30];
	[tilespmem:v60+s24+$0x0] =	vst.idx.msk $0xffff, v59;
	v59 =	vadd.s32 v19, v44  }
0x108: {  	v61 =	vadd.s32 v23, v38;
	[tilespmem:v55+s24+$0x0] =	vst.idx.msk $0xffff, v41;
	v60 =	vld [tilespmem:s18+$0xFFFFFF70]  }
0x109: {  	[tilespmem:v53+s24+$0x0] =	vst.idx.msk $0xffff, v63;
	v63 =	vadd.s32 v27, v35;
	v62 =	vld [tilespmem:s18+$0xFFFFFFB0]  }
0x10a: {  	v47 =	vadd.s32 v8, v47;
	v55 =	vld [tilespmem:s18+$0xFFFFFE80];
	[tilespmem:v57+s24+$0x0] =	vst.idx.msk $0xffff, v56  }
0x10b: {  	v53 =	vld [tilespmem:s18+$0xFFFFFE30];
	[tilespmem:v54+s24+$0x0] =	vst.idx.msk $0xffff, v34;
	v54 =	vadd.s32 v3, v45  }
0x10c: {  	v40 =	vadd.s32 v12, v40;
	v56 =	vld [tilespmem:s18+$0xFFFFFEC0];
	[tilespmem:v59+s24+$0x0] =	vst.idx.msk $0xffff, v58  }
0x10d: {  	v42 =	vadd.s32 v16, v42;
	v57 =	vld [tilespmem:s18+$0xFFFFFF00];
	[tilespmem:v61+s24+$0x0] =	vst.idx.msk $0xffff, v60  }
0x10e: {  	v59 =	vadd.s32 v20, v44;
	v58 =	vld [tilespmem:s18+$0xFFFFFF40];
	[tilespmem:v63+s24+$0x0] =	vst.idx.msk $0xffff, v62  }
0x10f: {  	v38 =	vadd.s32 v24, v38;
	v60 =	vld [tilespmem:s18+$0xFFFFFF80];
	[tilespmem:v47+s24+$0x0] =	vst.idx.msk $0xffff, v55  }
0x110: {  	v35 =	vadd.s32 v28, v35;
	v61 =	vld [tilespmem:s18+$0xFFFFFFC0];
	[tilespmem:v54+s24+$0x0] =	vst.idx.msk $0xffff, v53  }
0x111: {  	v63 =	vadd.s32 v4, v45;
	[tilespmem:v40+s24+$0x0] =	vst.idx.msk $0xffff, v56;
	v62 =	vld [tilespmem:s18+$0xFFFFFE40]  }
0x112: {  	[tilespmem:v42+s24+$0x0] =	vst.idx.msk $0xffff, v57  }
0x113: {  	[tilespmem:v59+s24+$0x0] =	vst.idx.msk $0xffff, v58  }
0x114: {  	[tilespmem:v38+s24+$0x0] =	vst.idx.msk $0xffff, v60  }
0x115: {  	s12 =	simm.s32 $0x10600;
	s1 =	sadd.s32 s0, s7;
	[tilespmem:v35+s24+$0x0] =	vst.idx.msk $0xffff, v61  }
0x116: {  	s15 =	simm.s32 $0x200;
	s16 =	simm.s32 $0x10688;
	s17 =	sadd.s32 $0x0, s1;
	[tilespmem:v63+s24+$0x0] =	vst.idx.msk $0xffff, v62  }
.LBB2_13:
0x117: {  	[hbm4b:s17+s2] =	stream.linear.scatter [tilespmem:s12], [sflag:$0x6], $0x80, $0x38;
	[tilespmem:$0x12800] =	vst v63  }
0x118: {  	s17 =	smov.u32 s15;
	s12 =	smov.u32 s16;
	p0 =	sne.s32 s15, $0x7E00  }
.Ltmp8:
0x119: {  	s15 =	sadd.s32 $0x200, s15;
	(pc) =	sbr.rel @p0 .LBB2_13-.Ltmp8, $2  }
0x11a: {  	_ =	sdelay $0x2  }
0x11b: {  	s16 =	sadd.s32 $0x88, s16;
	s17 =	sadd.s32 s17, s1  }
0x11c: {  	[hbm4b:s17+s2] =	stream.linear.scatter [tilespmem:s12], [sflag:$0x6], $0x80, $0x38;
	[tilespmem:$0x12800] =	vst v63  }
0x11d: {  	p0 =	seq.s32 s30, $0x31;
	s17 =	simm.s32 $0x0;
	s18 =	simm.s32 $0x3  }
0x11e: {  	s1 =	sshrl.u32 @!p0 s31, $0x2;
	s15 =	simm.s32 @!p0 $0x80;
	s16 =	simm.s32 @!p0 $0x8400  }
0x11f: {  	v33 =	vmov s17;
	s17 =	simm.s32 $0x2;
	v36 =	vmov s18;
	s18 =	simm.s32 $0x4;
	s12 =	sadd.s32 @!p0 $0x280, s1  }
0x120: {  	v35 =	vmov s17;
	[tilespmem:s16], [sflag:$0x2] =	stream.indirect.gather @!p0 [hbm4b:s3+s15], $0x40, s12, s15, $0xb8;
	[tilespmem:$0x12800] =	vst v63  }
0x121: {  	s17 =	simm.s32 $0x7;
	v33 =	vshrl.u32 v33, $0x3;
	v37 =	vmov s18;
	s18 =	simm.s32 $0x5;
	v36 =	vshrl.u32 v36, $0x3;
	_ =	swait.ge [sflag:s25], $0x2000  }
0x122: {  	v38 =	vmov s17;
	v39 =	vmov s18;
	v33 =	vshll.u32 v33, v1;
	[sflag:s25] =	ssyncset.done $0x0  }
0x123: {  	s16 =	simm.s32 $0x1;
	v35 =	vshrl.u32 v35, $0x3;
	v37 =	vshrl.u32 v37, $0x3;
	v38 =	vshrl.u32 v38, $0x3;
	[sflag:s25] =	ssyncadd.s32 $0xFFFFE000  }
0x124: {  	s18 =	simm.s32 $0x6;
	v53 =	vshll.u32 v36, v1;
	v34 =	vmov s16;
	v38 =	vshll.u32 v38, v1;
	_ =	swait.ge [sflag:s26], $0x2000  }
0x125: {  	v40 =	vmov s18;
	v34 =	vshrl.u32 v34, $0x3;
	v38 =	vbroadcast v38, $0x0;
	[sflag:s26] =	ssyncset.done $0x0  }
0x126: {  	s15 =	simm.s32 $0xA5F0;
	v33 =	vbroadcast v33, $0x0;
	v52 =	vshll.u32 v35, v1;
	v34 =	vshll.u32 v34, v1;
	[sflag:s26] =	ssyncadd.s32 $0xFFFFE000  }
0x127: {  	v35 =	vbroadcast v53, $0x0;
	v45 =	vbroadcast v34, $0x0;
	v42 =	vadd.s32 v29, v38;
	v41 =	vld [tilespmem:s15+$0xFFFFFFD0]  }
0x128: {  	v55 =	vshrl.u32 v39, $0x3;
	v52 =	vbroadcast v52, $0x0;
	v44 =	vadd.s32 v0, v33;
	v43 =	vld [tilespmem:s15+$0xFFFFFE10]  }
0x129: {  	v54 =	vshll.u32 v37, v1;
	v36 =	vshll.u32 v55, v1;
	v47 =	vadd.s32 v5, v45;
	v46 =	vld [tilespmem:s15+$0xFFFFFE50]  }
0x12a: {  	v40 =	vshrl.u32 v40, $0x3;
	v49 =	vadd.s32 v9, v52;
	v34 =	vbroadcast v54, $0x0;
	v48 =	vld [tilespmem:s15+$0xFFFFFE90]  }
0x12b: {  	v50 =	vadd.s32 v13, v35;
	v37 =	vbroadcast v36, $0x0;
	v56 =	vshll.u32 v40, v1;
	v39 =	vld [tilespmem:s15+$0xFFFFFED0]  }
0x12c: {  	v36 =	vbroadcast v56, $0x0;
	v53 =	vadd.s32 v17, v34;
	v51 =	vld [tilespmem:s15+$0xFFFFFF10];
	[tilespmem:v42+s21+$0x0] =	vst.idx.msk $0xffff, v41  }
0x12d: {  	v60 =	vadd.s32 v21, v37;
	v59 =	vld [tilespmem:s15+$0xFFFFFF50];
	[tilespmem:v44+s21+$0x0] =	vst.idx.msk $0xffff, v43  }
0x12e: {  	v62 =	vadd.s32 v25, v36;
	v61 =	vld [tilespmem:s15+$0xFFFFFF90];
	[tilespmem:v47+s21+$0x0] =	vst.idx.msk $0xffff, v46  }
0x12f: {  	v58 =	vadd.s32 v30, v38;
	[tilespmem:v49+s21+$0x0] =	vst.idx.msk $0xffff, v48;
	v57 =	vld [tilespmem:s15+$0xFFFFFFE0]  }
0x130: {  	v63 =	vadd.s32 v6, v45;
	[tilespmem:v50+s21+$0x0] =	vst.idx.msk $0xffff, v39;
	v47 =	vld [tilespmem:s15+$0xFFFFFE60]  }
0x131: {  	v55 =	vadd.s32 v10, v52;
	[tilespmem:v53+s21+$0x0] =	vst.idx.msk $0xffff, v51;
	v54 =	vld [tilespmem:s15+$0xFFFFFEA0]  }
0x132: {  	v56 =	vadd.s32 v14, v35;
	[tilespmem:v60+s21+$0x0] =	vst.idx.msk $0xffff, v59;
	v50 =	vld [tilespmem:s15+$0xFFFFFEE0]  }
0x133: {  	[tilespmem:v62+s21+$0x0] =	vst.idx.msk $0xffff, v61;
	v46 =	vadd.s32 v22, v37;
	v44 =	vld [tilespmem:s15+$0xFFFFFF60]  }
0x134: {  	v59 =	vadd.s32 v18, v34;
	[tilespmem:v58+s21+$0x0] =	vst.idx.msk $0xffff, v57;
	v58 =	vld [tilespmem:s15+$0xFFFFFF20]  }
0x135: {  	v57 =	vadd.s32 v31, v38;
	[tilespmem:v63+s21+$0x0] =	vst.idx.msk $0xffff, v47;
	v40 =	vld [tilespmem:s15+$0xFFFFFFF0]  }
0x136: {  	v62 =	vadd.s32 v2, v33;
	v61 =	vld [tilespmem:s15+$0xFFFFFE20];
	[tilespmem:v55+s21+$0x0] =	vst.idx.msk $0xffff, v54  }
0x137: {  	v60 =	vadd.s32 v26, v36;
	v63 =	vld [tilespmem:s15+$0xFFFFFFA0];
	[tilespmem:v56+s21+$0x0] =	vst.idx.msk $0xffff, v50  }
0x138: {  	v51 =	vadd.s32 v7, v45;
	[tilespmem:v46+s21+$0x0] =	vst.idx.msk $0xffff, v44;
	v50 =	vld [tilespmem:s15+$0xFFFFFE70]  }
0x139: {  	v56 =	vadd.s32 v11, v52;
	v55 =	vld [tilespmem:s15+$0xFFFFFEB0];
	[tilespmem:v59+s21+$0x0] =	vst.idx.msk $0xffff, v58  }
0x13a: {  	v58 =	vadd.s32 v15, v35;
	[tilespmem:v57+s21+$0x0] =	vst.idx.msk $0xffff, v40;
	v57 =	vld [tilespmem:s15+$0xFFFFFEF0]  }
0x13b: {  	v38 =	vadd.s32 v32, v38;
	[tilespmem:v62+s21+$0x0] =	vst.idx.msk $0xffff, v61;
	v54 =	vld [tilespmem:s15+$0x0]  }
0x13c: {  	s18 =	simm.s32 $0x9;
	[tilespmem:v60+s21+$0x0] =	vst.idx.msk $0xffff, v63;
	v60 =	vadd.s32 v19, v34;
	v59 =	vld [tilespmem:s15+$0xFFFFFF30]  }
0x13d: {  	s17 =	simm.s32 $0x8;
	v41 =	vadd.s32 v23, v37;
	v53 =	vmov s18;
	[tilespmem:v51+s21+$0x0] =	vst.idx.msk $0xffff, v50;
	v40 =	vld [tilespmem:s15+$0xFFFFFF70]  }
0x13e: {  	s18 =	simm.s32 $0xB;
	v43 =	vadd.s32 v27, v36;
	v48 =	vadd.s32 v3, v33;
	v63 =	vmov s17;
	v42 =	vld [tilespmem:s15+$0xFFFFFFB0];
	[tilespmem:v56+s21+$0x0] =	vst.idx.msk $0xffff, v55  }
0x13f: {  	v44 =	vmov s18;
	s18 =	simm.s32 $0xD;
	v52 =	vadd.s32 v12, v52;
	v46 =	vld [tilespmem:s15+$0xFFFFFE30];
	s17 =	simm.s32 $0xA;
	v39 =	vshrl.u32 v63, $0x3;
	[tilespmem:v58+s21+$0x0] =	vst.idx.msk $0xffff, v57  }
0x140: {  	v51 =	vadd.s32 v8, v45;
	v49 =	vld [tilespmem:s15+$0xFFFFFE80];
	[tilespmem:v38+s21+$0x0] =	vst.idx.msk $0xffff, v54;
	v54 =	vmov s17;
	s17 =	simm.s32 $0xC;
	v38 =	vmov s18;
	s18 =	simm.s32 $0xE  }
0x141: {  	s12 =	sadd.s32 s0, s8;
	s16 =	simm.s32 $0x10;
	v45 =	vshll.u32 v39, v1;
	v50 =	vld [tilespmem:s15+$0xFFFFFEC0];
	[tilespmem:v60+s21+$0x0] =	vst.idx.msk $0xffff, v59;
	v47 =	vmov s17;
	v39 =	vmov s18;
	s17 =	simm.s32 $0xF  }
.LBB2_15:
0x142: {  	p1 =	slt.u32 s16, $0x78;
	v53 =	vshrl.u32 v53, $0x3;
	v55 =	vmov s17;
	v56 =	vld [tilespmem:s15+$0xFFFFFF00];
	v35 =	vadd.s32 v16, v35;
	[tilespmem:v41+s21+$0x0] =	vst.idx.msk $0xffff, v40  }
0x143: {  	v40 =	vshrl.u32 v54, $0x3;
	v34 =	vadd.s32 v20, v34;
	v41 =	vshrl.u32 v55, $0x3;
	v54 =	vld [tilespmem:s15+$0xFFFFFF40];
	[tilespmem:v43+s21+$0x0] =	vst.idx.msk $0xffff, v42  }
0x144: {  	v37 =	vadd.s32 v24, v37;
	v42 =	vshrl.u32 v44, $0x3;
	v41 =	vshll.u32 v41, v1;
	[tilespmem:v48+s21+$0x0] =	vst.idx.msk $0xffff, v46;
	v43 =	vld [tilespmem:s15+$0xFFFFFF80]  }
0x145: {  	v36 =	vadd.s32 v28, v36;
	v44 =	vshrl.u32 v47, $0x3;
	v41 =	vbroadcast v41, $0x0;
	[tilespmem:v51+s21+$0x0] =	vst.idx.msk $0xffff, v49;
	v46 =	vld [tilespmem:s15+$0xFFFFFFC0]  }
0x146: {  	v47 =	vshll.u32 v53, v1;
	v49 =	vadd.s32 v4, v33;
	v33 =	vbroadcast v45, $0x0;
	v48 =	vld [tilespmem:s15+$0xFFFFFE40];
	[tilespmem:v52+s21+$0x0] =	vst.idx.msk $0xffff, v50;
	s15 =	sadd.s32 $0x200, s15  }
0x147: {  	v40 =	vshll.u32 v40, v1;
	v45 =	vbroadcast v47, $0x0;
	v47 =	vld [tilespmem:s15+$0xFFFFFFD0];
	v50 =	vadd.s32 v29, v41;
	[tilespmem:v35+s21+$0x0] =	vst.idx.msk $0xffff, v56  }
0x148: {  	v55 =	vbroadcast v40, $0x0;
	v52 =	vadd.s32 v0, v33;
	v35 =	vshll.u32 v42, v1;
	v51 =	vld [tilespmem:s15+$0xFFFFFE10];
	[tilespmem:v34+s21+$0x0] =	vst.idx.msk $0xffff, v54  }
0x149: {  	v42 =	vadd.s32 v5, v45;
	v35 =	vbroadcast v35, $0x0;
	v34 =	vshll.u32 v44, v1;
	v40 =	vld [tilespmem:s15+$0xFFFFFE50];
	[tilespmem:v37+s21+$0x0] =	vst.idx.msk $0xffff, v43  }
0x14a: {  	v44 =	vadd.s32 v9, v55;
	v34 =	vbroadcast v34, $0x0;
	v37 =	vshrl.u32 v38, $0x3;
	v43 =	vld [tilespmem:s15+$0xFFFFFE90];
	[tilespmem:v36+s21+$0x0] =	vst.idx.msk $0xffff, v46  }
0x14b: {  	v39 =	vshrl.u32 v39, $0x3;
	v46 =	vadd.s32 v13, v35;
	v36 =	vshll.u32 v37, v1;
	v38 =	vld [tilespmem:s15+$0xFFFFFED0];
	[tilespmem:v49+s21+$0x0] =	vst.idx.msk $0xffff, v48  }
0x14c: {  	v49 =	vadd.s32 v17, v34;
	v37 =	vbroadcast v36, $0x0;
	v36 =	vshll.u32 v39, v1;
	v48 =	vld [tilespmem:s15+$0xFFFFFF10];
	[tilespmem:v50+s21+$0x0] =	vst.idx.msk $0xffff, v47  }
0x14d: {  	v36 =	vbroadcast v36, $0x0;
	v47 =	vadd.s32 v30, v41;
	[tilespmem:v52+s21+$0x0] =	vst.idx.msk $0xffff, v51;
	v39 =	vld [tilespmem:s15+$0xFFFFFFE0]  }
0x14e: {  	[tilespmem:v42+s21+$0x0] =	vst.idx.msk $0xffff, v40;
	v40 =	vld [tilespmem:s15+$0xFFFFFF50];
	v42 =	vadd.s32 v21, v37  }
0x14f: {  	[tilespmem:v44+s21+$0x0] =	vst.idx.msk $0xffff, v43;
	v43 =	vld [tilespmem:s15+$0xFFFFFF90];
	v44 =	vadd.s32 v25, v36  }
0x150: {  	v51 =	vadd.s32 v6, v45;
	v50 =	vld [tilespmem:s15+$0xFFFFFE60];
	[tilespmem:v46+s21+$0x0] =	vst.idx.msk $0xffff, v38  }
0x151: {  	v46 =	vadd.s32 v10, v55;
	v38 =	vld [tilespmem:s15+$0xFFFFFEA0];
	[tilespmem:v49+s21+$0x0] =	vst.idx.msk $0xffff, v48  }
0x152: {  	v49 =	vadd.s32 v14, v35;
	v48 =	vld [tilespmem:s15+$0xFFFFFEE0];
	[tilespmem:v47+s21+$0x0] =	vst.idx.msk $0xffff, v39  }
0x153: {  	[tilespmem:v42+s21+$0x0] =	vst.idx.msk $0xffff, v40;
	v39 =	vld [tilespmem:s15+$0xFFFFFFF0];
	v40 =	vadd.s32 v31, v41  }
0x154: {  	v47 =	vadd.s32 v18, v34;
	v42 =	vld [tilespmem:s15+$0xFFFFFF20];
	[tilespmem:v44+s21+$0x0] =	vst.idx.msk $0xffff, v43  }
0x155: {  	v44 =	vadd.s32 v22, v37;
	[tilespmem:v51+s21+$0x0] =	vst.idx.msk $0xffff, v50;
	v43 =	vld [tilespmem:s15+$0xFFFFFF60]  }
0x156: {  	[tilespmem:v46+s21+$0x0] =	vst.idx.msk $0xffff, v38;
	v38 =	vld [tilespmem:s15+$0xFFFFFFA0];
	v46 =	vadd.s32 v26, v36  }
0x157: {  	v51 =	vadd.s32 v2, v33;
	v50 =	vld [tilespmem:s15+$0xFFFFFE20];
	[tilespmem:v49+s21+$0x0] =	vst.idx.msk $0xffff, v48  }
0x158: {  	v49 =	vadd.s32 v7, v45;
	v48 =	vld [tilespmem:s15+$0xFFFFFE70];
	[tilespmem:v40+s21+$0x0] =	vst.idx.msk $0xffff, v39  }
0x159: {  	[tilespmem:v47+s21+$0x0] =	vst.idx.msk $0xffff, v42;
	v39 =	vld [tilespmem:s15+$0x0];
	v47 =	vadd.s32 v32, v41  }
0x15a: {  	v56 =	vadd.s32 v11, v55;
	v52 =	vld [tilespmem:s15+$0xFFFFFEB0];
	[tilespmem:v44+s21+$0x0] =	vst.idx.msk $0xffff, v43  }
0x15b: {  	v58 =	vadd.s32 v15, v35;
	v57 =	vld [tilespmem:s15+$0xFFFFFEF0];
	[tilespmem:v46+s21+$0x0] =	vst.idx.msk $0xffff, v38  }
0x15c: {  	v60 =	vadd.s32 v19, v34;
	[tilespmem:v51+s21+$0x0] =	vst.idx.msk $0xffff, v50;
	v59 =	vld [tilespmem:s15+$0xFFFFFF30]  }
.Ltmp9:
0x15d: {  	s17 =	sadd.s32 $0x1, s16;
	v41 =	vadd.s32 v23, v37;
	v38 =	vmov s16;
	[tilespmem:v49+s21+$0x0] =	vst.idx.msk $0xffff, v48;
	v40 =	vld [tilespmem:s15+$0xFFFFFF70];
	(pc) =	sbr.rel @p1 .LBB2_15-.Ltmp9, $4  }
0x15e: {  	s18 =	sadd.s32 $0x3, s16;
	v53 =	vmov s17;
	s17 =	sadd.s32 $0x2, s16;
	v43 =	vadd.s32 v27, v36;
	v50 =	vshrl.u32 v38, $0x3;
	v42 =	vld [tilespmem:s15+$0xFFFFFFB0];
	[tilespmem:v47+s21+$0x0] =	vst.idx.msk $0xffff, v39  }
0x15f: {  	v54 =	vmov s17;
	s17 =	sadd.s32 $0x4, s16;
	v44 =	vmov s18;
	s18 =	sadd.s32 $0x5, s16;
	v48 =	vadd.s32 v3, v33;
	v46 =	vld [tilespmem:s15+$0xFFFFFE30];
	[tilespmem:v56+s21+$0x0] =	vst.idx.msk $0xffff, v52  }
0x160: {  	v38 =	vmov s18;
	v51 =	vadd.s32 v8, v45;
	v47 =	vmov s17;
	s17 =	sadd.s32 $0x6, s16;
	v49 =	vld [tilespmem:s15+$0xFFFFFE80];
	[tilespmem:v58+s21+$0x0] =	vst.idx.msk $0xffff, v57  }
0x161: {  	v45 =	vshll.u32 v50, v1;
	v39 =	vmov s17;
	s17 =	sadd.s32 $0x7, s16;
	s16 =	sadd.s32 $0x8, s16;
	v52 =	vadd.s32 v12, v55;
	v50 =	vld [tilespmem:s15+$0xFFFFFEC0];
	[tilespmem:v60+s21+$0x0] =	vst.idx.msk $0xffff, v59  }
0x162: {  	_ =	sdelay $0x2  }
0x163: {  	v53 =	vshrl.u32 v53, $0x3  }
0x164: {  	v55 =	vmov s17;
	v56 =	vld [tilespmem:s15+$0xFFFFFF00];
	v35 =	vadd.s32 v16, v35;
	[tilespmem:v41+s21+$0x0] =	vst.idx.msk $0xffff, v40;
	v57 =	vshrl.u32 v54, $0x3  }
0x165: {  	v59 =	vld [tilespmem:s15+$0xFFFFFF40];
	v34 =	vadd.s32 v20, v34;
	v60 =	vshrl.u32 v44, $0x3;
	v58 =	vshrl.u32 v55, $0x3;
	[tilespmem:v43+s21+$0x0] =	vst.idx.msk $0xffff, v42  }
0x166: {  	v37 =	vadd.s32 v24, v37;
	v62 =	vshrl.u32 v47, $0x3;
	v61 =	vld [tilespmem:s15+$0xFFFFFF80];
	v41 =	vshll.u32 v58, v1;
	[tilespmem:v48+s21+$0x0] =	vst.idx.msk $0xffff, v46  }
0x167: {  	v36 =	vadd.s32 v28, v36;
	v45 =	vbroadcast v45, $0x0;
	v63 =	vld [tilespmem:s15+$0xFFFFFFC0];
	v41 =	vbroadcast v41, $0x0;
	[tilespmem:v51+s21+$0x0] =	vst.idx.msk $0xffff, v49  }
0x168: {  	v33 =	vadd.s32 v4, v33;
	s18 =	sadd.s32 $0x200, s15;
	v38 =	vshrl.u32 v38, $0x3;
	v55 =	vshll.u32 v53, v1;
	v48 =	vld [tilespmem:s15+$0xFFFFFE40];
	[tilespmem:v52+s21+$0x0] =	vst.idx.msk $0xffff, v50  }
0x169: {  	v40 =	vshll.u32 v57, v1;
	v47 =	vbroadcast v55, $0x0;
	v49 =	vld [tilespmem:s18+$0xFFFFFFD0];
	v50 =	vadd.s32 v29, v41;
	[tilespmem:v35+s21+$0x0] =	vst.idx.msk $0xffff, v56  }
0x16a: {  	v42 =	vshll.u32 v60, v1;
	v40 =	vbroadcast v40, $0x0;
	v35 =	vld [tilespmem:s18+$0xFFFFFE10];
	v56 =	vadd.s32 v0, v45;
	[tilespmem:v34+s21+$0x0] =	vst.idx.msk $0xffff, v59  }
0x16b: {  	v57 =	vld [tilespmem:s18+$0xFFFFFE50];
	v44 =	vshll.u32 v62, v1;
	v42 =	vbroadcast v42, $0x0;
	v58 =	vadd.s32 v5, v47;
	[tilespmem:v37+s21+$0x0] =	vst.idx.msk $0xffff, v61  }
0x16c: {  	v38 =	vshll.u32 v38, v1;
	v44 =	vbroadcast v44, $0x0;
	v60 =	vadd.s32 v9, v40;
	v59 =	vld [tilespmem:s18+$0xFFFFFE90];
	[tilespmem:v36+s21+$0x0] =	vst.idx.msk $0xffff, v63  }
0x16d: {  	v38 =	vbroadcast v38, $0x0;
	v62 =	vadd.s32 v13, v42;
	v61 =	vld [tilespmem:s18+$0xFFFFFED0];
	[tilespmem:v33+s21+$0x0] =	vst.idx.msk $0xffff, v48  }
0x16e: {  	v39 =	vshrl.u32 v39, $0x3;
	v63 =	vadd.s32 v17, v44;
	v33 =	vld [tilespmem:s18+$0xFFFFFF10];
	[tilespmem:v50+s21+$0x0] =	vst.idx.msk $0xffff, v49  }
0x16f: {  	v39 =	vshll.u32 v39, v1;
	v34 =	vld [tilespmem:s18+$0xFFFFFF50];
	[tilespmem:v56+s21+$0x0] =	vst.idx.msk $0xffff, v35;
	v56 =	vadd.s32 v21, v38  }
0x170: {  	[tilespmem:v58+s21+$0x0] =	vst.idx.msk $0xffff, v57;
	v35 =	vbroadcast v39, $0x0;
	v49 =	vadd.s32 v30, v41;
	v39 =	vld [tilespmem:s18+$0xFFFFFFE0]  }
0x171: {  	[tilespmem:v60+s21+$0x0] =	vst.idx.msk $0xffff, v59;
	v59 =	vld [tilespmem:s18+$0xFFFFFE60];
	v60 =	vadd.s32 v6, v47  }
0x172: {  	v57 =	vld [tilespmem:s18+$0xFFFFFF90];
	[tilespmem:v62+s21+$0x0] =	vst.idx.msk $0xffff, v61;
	v58 =	vadd.s32 v25, v35  }
0x173: {  	v61 =	vld [tilespmem:s18+$0xFFFFFEA0];
	v62 =	vadd.s32 v10, v40;
	[tilespmem:v63+s21+$0x0] =	vst.idx.msk $0xffff, v33  }
0x174: {  	v33 =	vld [tilespmem:s18+$0xFFFFFEE0];
	v63 =	vadd.s32 v14, v42;
	[tilespmem:v56+s21+$0x0] =	vst.idx.msk $0xffff, v34  }
0x175: {  	v56 =	vadd.s32 v18, v44;
	[tilespmem:v49+s21+$0x0] =	vst.idx.msk $0xffff, v39;
	v49 =	vld [tilespmem:s18+$0xFFFFFF20]  }
0x176: {  	[tilespmem:v60+s21+$0x0] =	vst.idx.msk $0xffff, v59;
	v39 =	vadd.s32 v31, v41;
	v34 =	vld [tilespmem:s18+$0xFFFFFFF0]  }
0x177: {  	[tilespmem:v58+s21+$0x0] =	vst.idx.msk $0xffff, v57;
	v57 =	vld [tilespmem:s18+$0xFFFFFF60];
	v58 =	vadd.s32 v22, v38  }
0x178: {  	[tilespmem:v62+s21+$0x0] =	vst.idx.msk $0xffff, v61;
	v61 =	vld [tilespmem:s18+$0xFFFFFE20];
	v62 =	vadd.s32 v2, v45  }
0x179: {  	v60 =	vadd.s32 v26, v35;
	v59 =	vld [tilespmem:s18+$0xFFFFFFA0];
	[tilespmem:v63+s21+$0x0] =	vst.idx.msk $0xffff, v33  }
0x17a: {  	v55 =	vadd.s32 v11, v40;
	v54 =	vadd.s32 v32, v41;
	v41 =	vld [tilespmem:s18+$0xFFFFFEB0];
	[tilespmem:v56+s21+$0x0] =	vst.idx.msk $0xffff, v49  }
0x17b: {  	v53 =	vadd.s32 v7, v47;
	v63 =	vld [tilespmem:s18+$0xFFFFFE70];
	[tilespmem:v39+s21+$0x0] =	vst.idx.msk $0xffff, v34  }
0x17c: {  	v56 =	vld [tilespmem:s18+$0xFFFFFEF0];
	[tilespmem:v58+s21+$0x0] =	vst.idx.msk $0xffff, v57;
	v57 =	vadd.s32 v15, v42  }
0x17d: {  	[tilespmem:v62+s21+$0x0] =	vst.idx.msk $0xffff, v61;
	v34 =	vld [tilespmem:s18+$0x0]  }
0x17e: {  	v58 =	vld [tilespmem:s18+$0xFFFFFF30];
	[tilespmem:v60+s21+$0x0] =	vst.idx.msk $0xffff, v59;
	v59 =	vadd.s32 v19, v44  }
0x17f: {  	v61 =	vadd.s32 v23, v38;
	[tilespmem:v55+s21+$0x0] =	vst.idx.msk $0xffff, v41;
	v60 =	vld [tilespmem:s18+$0xFFFFFF70]  }
0x180: {  	[tilespmem:v53+s21+$0x0] =	vst.idx.msk $0xffff, v63;
	v63 =	vadd.s32 v27, v35;
	v62 =	vld [tilespmem:s18+$0xFFFFFFB0]  }
0x181: {  	v47 =	vadd.s32 v8, v47;
	v55 =	vld [tilespmem:s18+$0xFFFFFE80];
	[tilespmem:v57+s21+$0x0] =	vst.idx.msk $0xffff, v56  }
0x182: {  	v53 =	vld [tilespmem:s18+$0xFFFFFE30];
	[tilespmem:v54+s21+$0x0] =	vst.idx.msk $0xffff, v34;
	v54 =	vadd.s32 v3, v45  }
0x183: {  	v40 =	vadd.s32 v12, v40;
	v56 =	vld [tilespmem:s18+$0xFFFFFEC0];
	[tilespmem:v59+s21+$0x0] =	vst.idx.msk $0xffff, v58  }
0x184: {  	v42 =	vadd.s32 v16, v42;
	v57 =	vld [tilespmem:s18+$0xFFFFFF00];
	[tilespmem:v61+s21+$0x0] =	vst.idx.msk $0xffff, v60  }
0x185: {  	v59 =	vadd.s32 v20, v44;
	v58 =	vld [tilespmem:s18+$0xFFFFFF40];
	[tilespmem:v63+s21+$0x0] =	vst.idx.msk $0xffff, v62  }
0x186: {  	v38 =	vadd.s32 v24, v38;
	v60 =	vld [tilespmem:s18+$0xFFFFFF80];
	[tilespmem:v47+s21+$0x0] =	vst.idx.msk $0xffff, v55  }
0x187: {  	v35 =	vadd.s32 v28, v35;
	v61 =	vld [tilespmem:s18+$0xFFFFFFC0];
	[tilespmem:v54+s21+$0x0] =	vst.idx.msk $0xffff, v53  }
0x188: {  	v63 =	vadd.s32 v4, v45;
	[tilespmem:v40+s21+$0x0] =	vst.idx.msk $0xffff, v56;
	v62 =	vld [tilespmem:s18+$0xFFFFFE40]  }
0x189: {  	[tilespmem:v42+s21+$0x0] =	vst.idx.msk $0xffff, v57  }
0x18a: {  	[tilespmem:v59+s21+$0x0] =	vst.idx.msk $0xffff, v58  }
0x18b: {  	[tilespmem:v38+s21+$0x0] =	vst.idx.msk $0xffff, v60  }
0x18c: {  	s16 =	simm.s32 $0x200;
	[tilespmem:v35+s21+$0x0] =	vst.idx.msk $0xffff, v61  }
0x18d: {  	s17 =	simm.s32 $0xE488;
	s15 =	simm.s32 $0xE400;
	s18 =	sadd.s32 $0x0, s12;
	[tilespmem:v63+s21+$0x0] =	vst.idx.msk $0xffff, v62  }
.LBB2_17:
0x18e: {  	[hbm4b:s18+s2] =	stream.linear.scatter [tilespmem:s15], [sflag:$0x5], $0x80, $0x38;
	[tilespmem:$0x12800] =	vst v63  }
0x18f: {  	s18 =	smov.u32 s16;
	s15 =	smov.u32 s17;
	p1 =	sne.s32 s16, $0x7E00  }
.Ltmp10:
0x190: {  	s16 =	sadd.s32 $0x200, s16;
	(pc) =	sbr.rel @p1 .LBB2_17-.Ltmp10, $2  }
0x191: {  	_ =	sdelay $0x2  }
0x192: {  	s17 =	sadd.s32 $0x88, s17;
	s18 =	sadd.s32 s18, s12  }
0x193: {  	[hbm4b:s18+s2] =	stream.linear.scatter [tilespmem:s15], [sflag:$0x5], $0x80, $0x38;
	[tilespmem:$0x12800] =	vst v63  }
0x194: {  	s1 =	sadd.s32 @!p0 $0x300, s1;
	s12 =	simm.s32 @!p0 $0x80  }
0x195: {  	s15 =	simm.s32 @!p0 $0xA400;
	s16 =	simm.s32 $0x0;
	s17 =	simm.s32 $0x1  }
0x196: {  	s18 =	simm.s32 $0x2;
	v33 =	vmov s16;
	s16 =	simm.s32 $0x3;
	v34 =	vmov s17;
	s17 =	simm.s32 $0x5  }
0x197: {  	v35 =	vmov s18;
	[tilespmem:s15], [sflag:$0x3] =	stream.indirect.gather @!p0 [hbm4b:s3+s12], $0x40, s1, s12, $0xb8;
	[tilespmem:$0x12800] =	vst v63  }
0x198: {  	s18 =	simm.s32 $0x6;
	v36 =	vmov s16;
	s16 =	simm.s32 $0x7;
	v33 =	vshrl.u32 v33, $0x3;
	v39 =	vmov s17;
	_ =	swait.ge [sflag:s28], $0x2000  }
0x199: {  	s15 =	simm.s32 $0x4;
	v40 =	vmov s18;
	v34 =	vshrl.u32 v34, $0x3;
	v38 =	vmov s16;
	[sflag:s28] =	ssyncset.done $0x0  }
0x19a: {  	v35 =	vshrl.u32 v35, $0x3;
	v37 =	vmov s15;
	v38 =	vshrl.u32 v38, $0x3;
	[sflag:s28] =	ssyncadd.s32 $0xFFFFE000  }
0x19b: {  	v33 =	vshll.u32 v33, v1;
	v36 =	vshrl.u32 v36, $0x3;
	v38 =	vshll.u32 v38, v1;
	_ =	swait.ge [sflag:s23], $0x2000  }
0x19c: {  	v34 =	vshll.u32 v34, v1;
	v52 =	vshll.u32 v35, v1;
	v38 =	vbroadcast v38, $0x0;
	[sflag:s23] =	ssyncset.done $0x0  }
0x19d: {  	s1 =	simm.s32 $0xC5F0;
	v55 =	vshrl.u32 v39, $0x3;
	v40 =	vshrl.u32 v40, $0x3;
	v33 =	vbroadcast v33, $0x0;
	[sflag:s23] =	ssyncadd.s32 $0xFFFFE000  }
0x19e: {  	v37 =	vshrl.u32 v37, $0x3;
	v45 =	vbroadcast v34, $0x0;
	v42 =	vadd.s32 v29, v38;
	v41 =	vld [tilespmem:s1+$0xFFFFFFD0]  }
0x19f: {  	v52 =	vbroadcast v52, $0x0;
	v53 =	vshll.u32 v36, v1;
	v44 =	vadd.s32 v0, v33;
	v43 =	vld [tilespmem:s1+$0xFFFFFE10]  }
0x1a0: {  	v35 =	vbroadcast v53, $0x0;
	v54 =	vshll.u32 v37, v1;
	v47 =	vadd.s32 v5, v45;
	v46 =	vld [tilespmem:s1+$0xFFFFFE50]  }
0x1a1: {  	v36 =	vshll.u32 v55, v1;
	v49 =	vadd.s32 v9, v52;
	v34 =	vbroadcast v54, $0x0;
	v48 =	vld [tilespmem:s1+$0xFFFFFE90]  }
0x1a2: {  	v56 =	vshll.u32 v40, v1;
	v37 =	vbroadcast v36, $0x0;
	v50 =	vadd.s32 v13, v35;
	v39 =	vld [tilespmem:s1+$0xFFFFFED0]  }
0x1a3: {  	v36 =	vbroadcast v56, $0x0;
	v53 =	vadd.s32 v17, v34;
	v51 =	vld [tilespmem:s1+$0xFFFFFF10];
	[tilespmem:v42+s24+$0x0] =	vst.idx.msk $0xffff, v41  }
0x1a4: {  	v60 =	vadd.s32 v21, v37;
	v59 =	vld [tilespmem:s1+$0xFFFFFF50];
	[tilespmem:v44+s24+$0x0] =	vst.idx.msk $0xffff, v43  }
0x1a5: {  	v62 =	vadd.s32 v25, v36;
	v61 =	vld [tilespmem:s1+$0xFFFFFF90];
	[tilespmem:v47+s24+$0x0] =	vst.idx.msk $0xffff, v46  }
0x1a6: {  	v58 =	vadd.s32 v30, v38;
	[tilespmem:v49+s24+$0x0] =	vst.idx.msk $0xffff, v48;
	v57 =	vld [tilespmem:s1+$0xFFFFFFE0]  }
0x1a7: {  	v63 =	vadd.s32 v6, v45;
	[tilespmem:v50+s24+$0x0] =	vst.idx.msk $0xffff, v39;
	v47 =	vld [tilespmem:s1+$0xFFFFFE60]  }
0x1a8: {  	v55 =	vadd.s32 v10, v52;
	[tilespmem:v53+s24+$0x0] =	vst.idx.msk $0xffff, v51;
	v54 =	vld [tilespmem:s1+$0xFFFFFEA0]  }
0x1a9: {  	v56 =	vadd.s32 v14, v35;
	[tilespmem:v60+s24+$0x0] =	vst.idx.msk $0xffff, v59;
	v50 =	vld [tilespmem:s1+$0xFFFFFEE0]  }
0x1aa: {  	[tilespmem:v62+s24+$0x0] =	vst.idx.msk $0xffff, v61;
	v46 =	vadd.s32 v22, v37;
	v44 =	vld [tilespmem:s1+$0xFFFFFF60]  }
0x1ab: {  	v59 =	vadd.s32 v18, v34;
	[tilespmem:v58+s24+$0x0] =	vst.idx.msk $0xffff, v57;
	v58 =	vld [tilespmem:s1+$0xFFFFFF20]  }
0x1ac: {  	v57 =	vadd.s32 v31, v38;
	[tilespmem:v63+s24+$0x0] =	vst.idx.msk $0xffff, v47;
	v40 =	vld [tilespmem:s1+$0xFFFFFFF0]  }
0x1ad: {  	v62 =	vadd.s32 v2, v33;
	v61 =	vld [tilespmem:s1+$0xFFFFFE20];
	[tilespmem:v55+s24+$0x0] =	vst.idx.msk $0xffff, v54  }
0x1ae: {  	v60 =	vadd.s32 v26, v36;
	v63 =	vld [tilespmem:s1+$0xFFFFFFA0];
	[tilespmem:v56+s24+$0x0] =	vst.idx.msk $0xffff, v50  }
0x1af: {  	v51 =	vadd.s32 v7, v45;
	[tilespmem:v46+s24+$0x0] =	vst.idx.msk $0xffff, v44;
	v50 =	vld [tilespmem:s1+$0xFFFFFE70]  }
0x1b0: {  	v56 =	vadd.s32 v11, v52;
	v55 =	vld [tilespmem:s1+$0xFFFFFEB0];
	[tilespmem:v59+s24+$0x0] =	vst.idx.msk $0xffff, v58  }
0x1b1: {  	v58 =	vadd.s32 v15, v35;
	[tilespmem:v57+s24+$0x0] =	vst.idx.msk $0xffff, v40;
	v57 =	vld [tilespmem:s1+$0xFFFFFEF0]  }
0x1b2: {  	v38 =	vadd.s32 v32, v38;
	[tilespmem:v62+s24+$0x0] =	vst.idx.msk $0xffff, v61;
	v54 =	vld [tilespmem:s1+$0x0]  }
0x1b3: {  	s16 =	simm.s32 $0x9;
	[tilespmem:v60+s24+$0x0] =	vst.idx.msk $0xffff, v63;
	v60 =	vadd.s32 v19, v34;
	v59 =	vld [tilespmem:s1+$0xFFFFFF30]  }
0x1b4: {  	s18 =	simm.s32 $0xB;
	v41 =	vadd.s32 v23, v37;
	v53 =	vmov s16;
	[tilespmem:v51+s24+$0x0] =	vst.idx.msk $0xffff, v50;
	v40 =	vld [tilespmem:s1+$0xFFFFFF70]  }
0x1b5: {  	s15 =	simm.s32 $0x8;
	v43 =	vadd.s32 v27, v36;
	s16 =	simm.s32 $0xC;
	v48 =	vadd.s32 v3, v33;
	v44 =	vmov s18;
	v42 =	vld [tilespmem:s1+$0xFFFFFFB0];
	[tilespmem:v56+s24+$0x0] =	vst.idx.msk $0xffff, v55  }
0x1b6: {  	s17 =	simm.s32 $0xA;
	v47 =	vmov s16;
	v52 =	vadd.s32 v12, v52;
	v46 =	vld [tilespmem:s1+$0xFFFFFE30];
	v63 =	vmov s15;
	[tilespmem:v58+s24+$0x0] =	vst.idx.msk $0xffff, v57  }
0x1b7: {  	s18 =	simm.s32 $0xE;
	v39 =	vshrl.u32 v63, $0x3;
	v51 =	vadd.s32 v8, v45;
	v49 =	vld [tilespmem:s1+$0xFFFFFE80];
	[tilespmem:v38+s24+$0x0] =	vst.idx.msk $0xffff, v54;
	v54 =	vmov s17;
	s17 =	simm.s32 $0xD  }
0x1b8: {  	s0 =	sadd.s32 s0, s9;
	s12 =	simm.s32 $0x10;
	s15 =	simm.s32 $0xF;
	v45 =	vshll.u32 v39, v1;
	v39 =	vmov s18;
	v50 =	vld [tilespmem:s1+$0xFFFFFEC0];
	[tilespmem:v60+s24+$0x0] =	vst.idx.msk $0xffff, v59;
	v38 =	vmov s17  }
.LBB2_19:
0x1b9: {  	p1 =	slt.u32 s12, $0x78;
	v53 =	vshrl.u32 v53, $0x3;
	v55 =	vmov s15;
	v56 =	vld [tilespmem:s1+$0xFFFFFF00];
	v35 =	vadd.s32 v16, v35;
	[tilespmem:v41+s24+$0x0] =	vst.idx.msk $0xffff, v40  }
0x1ba: {  	v40 =	vshrl.u32 v54, $0x3;
	v34 =	vadd.s32 v20, v34;
	v41 =	vshrl.u32 v55, $0x3;
	v54 =	vld [tilespmem:s1+$0xFFFFFF40];
	[tilespmem:v43+s24+$0x0] =	vst.idx.msk $0xffff, v42  }
0x1bb: {  	v37 =	vadd.s32 v24, v37;
	v42 =	vshrl.u32 v44, $0x3;
	v41 =	vshll.u32 v41, v1;
	[tilespmem:v48+s24+$0x0] =	vst.idx.msk $0xffff, v46;
	v43 =	vld [tilespmem:s1+$0xFFFFFF80]  }
0x1bc: {  	v36 =	vadd.s32 v28, v36;
	v44 =	vshrl.u32 v47, $0x3;
	v41 =	vbroadcast v41, $0x0;
	[tilespmem:v51+s24+$0x0] =	vst.idx.msk $0xffff, v49;
	v46 =	vld [tilespmem:s1+$0xFFFFFFC0]  }
0x1bd: {  	v47 =	vshll.u32 v53, v1;
	v49 =	vadd.s32 v4, v33;
	v33 =	vbroadcast v45, $0x0;
	v48 =	vld [tilespmem:s1+$0xFFFFFE40];
	[tilespmem:v52+s24+$0x0] =	vst.idx.msk $0xffff, v50;
	s1 =	sadd.s32 $0x200, s1  }
0x1be: {  	v40 =	vshll.u32 v40, v1;
	v45 =	vbroadcast v47, $0x0;
	v47 =	vld [tilespmem:s1+$0xFFFFFFD0];
	v50 =	vadd.s32 v29, v41;
	[tilespmem:v35+s24+$0x0] =	vst.idx.msk $0xffff, v56  }
0x1bf: {  	v55 =	vbroadcast v40, $0x0;
	v52 =	vadd.s32 v0, v33;
	v35 =	vshll.u32 v42, v1;
	v51 =	vld [tilespmem:s1+$0xFFFFFE10];
	[tilespmem:v34+s24+$0x0] =	vst.idx.msk $0xffff, v54  }
0x1c0: {  	v42 =	vadd.s32 v5, v45;
	v35 =	vbroadcast v35, $0x0;
	v34 =	vshll.u32 v44, v1;
	v40 =	vld [tilespmem:s1+$0xFFFFFE50];
	[tilespmem:v37+s24+$0x0] =	vst.idx.msk $0xffff, v43  }
0x1c1: {  	v44 =	vadd.s32 v9, v55;
	v34 =	vbroadcast v34, $0x0;
	v37 =	vshrl.u32 v38, $0x3;
	v43 =	vld [tilespmem:s1+$0xFFFFFE90];
	[tilespmem:v36+s24+$0x0] =	vst.idx.msk $0xffff, v46  }
0x1c2: {  	v39 =	vshrl.u32 v39, $0x3;
	v46 =	vadd.s32 v13, v35;
	v36 =	vshll.u32 v37, v1;
	v38 =	vld [tilespmem:s1+$0xFFFFFED0];
	[tilespmem:v49+s24+$0x0] =	vst.idx.msk $0xffff, v48  }
0x1c3: {  	v49 =	vadd.s32 v17, v34;
	v37 =	vbroadcast v36, $0x0;
	v36 =	vshll.u32 v39, v1;
	v48 =	vld [tilespmem:s1+$0xFFFFFF10];
	[tilespmem:v50+s24+$0x0] =	vst.idx.msk $0xffff, v47  }
0x1c4: {  	v36 =	vbroadcast v36, $0x0;
	v47 =	vadd.s32 v30, v41;
	[tilespmem:v52+s24+$0x0] =	vst.idx.msk $0xffff, v51;
	v39 =	vld [tilespmem:s1+$0xFFFFFFE0]  }
0x1c5: {  	[tilespmem:v42+s24+$0x0] =	vst.idx.msk $0xffff, v40;
	v40 =	vld [tilespmem:s1+$0xFFFFFF50];
	v42 =	vadd.s32 v21, v37  }
0x1c6: {  	[tilespmem:v44+s24+$0x0] =	vst.idx.msk $0xffff, v43;
	v43 =	vld [tilespmem:s1+$0xFFFFFF90];
	v44 =	vadd.s32 v25, v36  }
0x1c7: {  	v51 =	vadd.s32 v6, v45;
	v50 =	vld [tilespmem:s1+$0xFFFFFE60];
	[tilespmem:v46+s24+$0x0] =	vst.idx.msk $0xffff, v38  }
0x1c8: {  	v46 =	vadd.s32 v10, v55;
	v38 =	vld [tilespmem:s1+$0xFFFFFEA0];
	[tilespmem:v49+s24+$0x0] =	vst.idx.msk $0xffff, v48  }
0x1c9: {  	v49 =	vadd.s32 v14, v35;
	v48 =	vld [tilespmem:s1+$0xFFFFFEE0];
	[tilespmem:v47+s24+$0x0] =	vst.idx.msk $0xffff, v39  }
0x1ca: {  	[tilespmem:v42+s24+$0x0] =	vst.idx.msk $0xffff, v40;
	v39 =	vld [tilespmem:s1+$0xFFFFFFF0];
	v40 =	vadd.s32 v31, v41  }
0x1cb: {  	v47 =	vadd.s32 v18, v34;
	v42 =	vld [tilespmem:s1+$0xFFFFFF20];
	[tilespmem:v44+s24+$0x0] =	vst.idx.msk $0xffff, v43  }
0x1cc: {  	v44 =	vadd.s32 v22, v37;
	[tilespmem:v51+s24+$0x0] =	vst.idx.msk $0xffff, v50;
	v43 =	vld [tilespmem:s1+$0xFFFFFF60]  }
0x1cd: {  	[tilespmem:v46+s24+$0x0] =	vst.idx.msk $0xffff, v38;
	v38 =	vld [tilespmem:s1+$0xFFFFFFA0];
	v46 =	vadd.s32 v26, v36  }
0x1ce: {  	v51 =	vadd.s32 v2, v33;
	v50 =	vld [tilespmem:s1+$0xFFFFFE20];
	[tilespmem:v49+s24+$0x0] =	vst.idx.msk $0xffff, v48  }
0x1cf: {  	v49 =	vadd.s32 v7, v45;
	v48 =	vld [tilespmem:s1+$0xFFFFFE70];
	[tilespmem:v40+s24+$0x0] =	vst.idx.msk $0xffff, v39  }
0x1d0: {  	[tilespmem:v47+s24+$0x0] =	vst.idx.msk $0xffff, v42;
	v39 =	vld [tilespmem:s1+$0x0];
	v47 =	vadd.s32 v32, v41  }
0x1d1: {  	v56 =	vadd.s32 v11, v55;
	v52 =	vld [tilespmem:s1+$0xFFFFFEB0];
	[tilespmem:v44+s24+$0x0] =	vst.idx.msk $0xffff, v43  }
0x1d2: {  	v58 =	vadd.s32 v15, v35;
	v57 =	vld [tilespmem:s1+$0xFFFFFEF0];
	[tilespmem:v46+s24+$0x0] =	vst.idx.msk $0xffff, v38  }
0x1d3: {  	v60 =	vadd.s32 v19, v34;
	[tilespmem:v51+s24+$0x0] =	vst.idx.msk $0xffff, v50;
	v59 =	vld [tilespmem:s1+$0xFFFFFF30]  }
.Ltmp11:
0x1d4: {  	s15 =	sadd.s32 $0x1, s12;
	v41 =	vadd.s32 v23, v37;
	v38 =	vmov s12;
	[tilespmem:v49+s24+$0x0] =	vst.idx.msk $0xffff, v48;
	v40 =	vld [tilespmem:s1+$0xFFFFFF70];
	(pc) =	sbr.rel @p1 .LBB2_19-.Ltmp11, $4  }
0x1d5: {  	s16 =	sadd.s32 $0x3, s12;
	v53 =	vmov s15;
	s15 =	sadd.s32 $0x2, s12;
	v43 =	vadd.s32 v27, v36;
	v50 =	vshrl.u32 v38, $0x3;
	v42 =	vld [tilespmem:s1+$0xFFFFFFB0];
	[tilespmem:v47+s24+$0x0] =	vst.idx.msk $0xffff, v39  }
0x1d6: {  	v54 =	vmov s15;
	s15 =	sadd.s32 $0x4, s12;
	v44 =	vmov s16;
	s16 =	sadd.s32 $0x5, s12;
	v48 =	vadd.s32 v3, v33;
	v46 =	vld [tilespmem:s1+$0xFFFFFE30];
	[tilespmem:v56+s24+$0x0] =	vst.idx.msk $0xffff, v52  }
0x1d7: {  	v38 =	vmov s16;
	v51 =	vadd.s32 v8, v45;
	v47 =	vmov s15;
	s15 =	sadd.s32 $0x6, s12;
	v49 =	vld [tilespmem:s1+$0xFFFFFE80];
	[tilespmem:v58+s24+$0x0] =	vst.idx.msk $0xffff, v57  }
0x1d8: {  	v45 =	vshll.u32 v50, v1;
	v39 =	vmov s15;
	s15 =	sadd.s32 $0x7, s12;
	s12 =	sadd.s32 $0x8, s12;
	v52 =	vadd.s32 v12, v55;
	v50 =	vld [tilespmem:s1+$0xFFFFFEC0];
	[tilespmem:v60+s24+$0x0] =	vst.idx.msk $0xffff, v59  }
0x1d9: {  	_ =	sdelay $0x2  }
0x1da: {  	v53 =	vshrl.u32 v53, $0x3  }
0x1db: {  	v55 =	vmov s15;
	v56 =	vld [tilespmem:s1+$0xFFFFFF00];
	v35 =	vadd.s32 v16, v35;
	[tilespmem:v41+s24+$0x0] =	vst.idx.msk $0xffff, v40;
	v57 =	vshrl.u32 v54, $0x3  }
0x1dc: {  	v59 =	vld [tilespmem:s1+$0xFFFFFF40];
	v34 =	vadd.s32 v20, v34;
	v60 =	vshrl.u32 v44, $0x3;
	v58 =	vshrl.u32 v55, $0x3;
	[tilespmem:v43+s24+$0x0] =	vst.idx.msk $0xffff, v42  }
0x1dd: {  	v37 =	vadd.s32 v24, v37;
	v62 =	vshrl.u32 v47, $0x3;
	v61 =	vld [tilespmem:s1+$0xFFFFFF80];
	v41 =	vshll.u32 v58, v1;
	[tilespmem:v48+s24+$0x0] =	vst.idx.msk $0xffff, v46  }
0x1de: {  	v36 =	vadd.s32 v28, v36;
	v45 =	vbroadcast v45, $0x0;
	v63 =	vld [tilespmem:s1+$0xFFFFFFC0];
	v41 =	vbroadcast v41, $0x0;
	[tilespmem:v51+s24+$0x0] =	vst.idx.msk $0xffff, v49  }
0x1df: {  	v33 =	vadd.s32 v4, v33;
	s18 =	sadd.s32 $0x200, s1;
	v38 =	vshrl.u32 v38, $0x3;
	v55 =	vshll.u32 v53, v1;
	v48 =	vld [tilespmem:s1+$0xFFFFFE40];
	[tilespmem:v52+s24+$0x0] =	vst.idx.msk $0xffff, v50  }
0x1e0: {  	v40 =	vshll.u32 v57, v1;
	v47 =	vbroadcast v55, $0x0;
	v49 =	vld [tilespmem:s18+$0xFFFFFFD0];
	v50 =	vadd.s32 v29, v41;
	[tilespmem:v35+s24+$0x0] =	vst.idx.msk $0xffff, v56  }
0x1e1: {  	v42 =	vshll.u32 v60, v1;
	v40 =	vbroadcast v40, $0x0;
	v35 =	vld [tilespmem:s18+$0xFFFFFE10];
	v56 =	vadd.s32 v0, v45;
	[tilespmem:v34+s24+$0x0] =	vst.idx.msk $0xffff, v59  }
0x1e2: {  	v57 =	vld [tilespmem:s18+$0xFFFFFE50];
	v44 =	vshll.u32 v62, v1;
	v42 =	vbroadcast v42, $0x0;
	v58 =	vadd.s32 v5, v47;
	[tilespmem:v37+s24+$0x0] =	vst.idx.msk $0xffff, v61  }
0x1e3: {  	v38 =	vshll.u32 v38, v1;
	v44 =	vbroadcast v44, $0x0;
	v60 =	vadd.s32 v9, v40;
	v59 =	vld [tilespmem:s18+$0xFFFFFE90];
	[tilespmem:v36+s24+$0x0] =	vst.idx.msk $0xffff, v63  }
0x1e4: {  	v38 =	vbroadcast v38, $0x0;
	v62 =	vadd.s32 v13, v42;
	v61 =	vld [tilespmem:s18+$0xFFFFFED0];
	[tilespmem:v33+s24+$0x0] =	vst.idx.msk $0xffff, v48  }
0x1e5: {  	v39 =	vshrl.u32 v39, $0x3;
	v63 =	vadd.s32 v17, v44;
	v33 =	vld [tilespmem:s18+$0xFFFFFF10];
	[tilespmem:v50+s24+$0x0] =	vst.idx.msk $0xffff, v49  }
0x1e6: {  	v39 =	vshll.u32 v39, v1;
	v34 =	vld [tilespmem:s18+$0xFFFFFF50];
	[tilespmem:v56+s24+$0x0] =	vst.idx.msk $0xffff, v35;
	v56 =	vadd.s32 v21, v38  }
0x1e7: {  	[tilespmem:v58+s24+$0x0] =	vst.idx.msk $0xffff, v57;
	v35 =	vbroadcast v39, $0x0;
	v49 =	vadd.s32 v30, v41;
	v39 =	vld [tilespmem:s18+$0xFFFFFFE0]  }
0x1e8: {  	[tilespmem:v60+s24+$0x0] =	vst.idx.msk $0xffff, v59;
	v59 =	vld [tilespmem:s18+$0xFFFFFE60];
	v60 =	vadd.s32 v6, v47  }
0x1e9: {  	v57 =	vld [tilespmem:s18+$0xFFFFFF90];
	[tilespmem:v62+s24+$0x0] =	vst.idx.msk $0xffff, v61;
	v58 =	vadd.s32 v25, v35  }
0x1ea: {  	v61 =	vld [tilespmem:s18+$0xFFFFFEA0];
	v62 =	vadd.s32 v10, v40;
	[tilespmem:v63+s24+$0x0] =	vst.idx.msk $0xffff, v33  }
0x1eb: {  	v33 =	vld [tilespmem:s18+$0xFFFFFEE0];
	v63 =	vadd.s32 v14, v42;
	[tilespmem:v56+s24+$0x0] =	vst.idx.msk $0xffff, v34  }
0x1ec: {  	v56 =	vadd.s32 v18, v44;
	[tilespmem:v49+s24+$0x0] =	vst.idx.msk $0xffff, v39;
	v49 =	vld [tilespmem:s18+$0xFFFFFF20]  }
0x1ed: {  	[tilespmem:v60+s24+$0x0] =	vst.idx.msk $0xffff, v59;
	v39 =	vadd.s32 v31, v41;
	v34 =	vld [tilespmem:s18+$0xFFFFFFF0]  }
0x1ee: {  	[tilespmem:v58+s24+$0x0] =	vst.idx.msk $0xffff, v57;
	v57 =	vld [tilespmem:s18+$0xFFFFFF60];
	v58 =	vadd.s32 v22, v38  }
0x1ef: {  	[tilespmem:v62+s24+$0x0] =	vst.idx.msk $0xffff, v61;
	v61 =	vld [tilespmem:s18+$0xFFFFFE20];
	v62 =	vadd.s32 v2, v45  }
0x1f0: {  	v60 =	vadd.s32 v26, v35;
	v59 =	vld [tilespmem:s18+$0xFFFFFFA0];
	[tilespmem:v63+s24+$0x0] =	vst.idx.msk $0xffff, v33  }
0x1f1: {  	v55 =	vadd.s32 v11, v40;
	v54 =	vadd.s32 v32, v41;
	v41 =	vld [tilespmem:s18+$0xFFFFFEB0];
	[tilespmem:v56+s24+$0x0] =	vst.idx.msk $0xffff, v49  }
0x1f2: {  	v53 =	vadd.s32 v7, v47;
	v63 =	vld [tilespmem:s18+$0xFFFFFE70];
	[tilespmem:v39+s24+$0x0] =	vst.idx.msk $0xffff, v34  }
0x1f3: {  	v56 =	vld [tilespmem:s18+$0xFFFFFEF0];
	[tilespmem:v58+s24+$0x0] =	vst.idx.msk $0xffff, v57;
	v57 =	vadd.s32 v15, v42  }
0x1f4: {  	[tilespmem:v62+s24+$0x0] =	vst.idx.msk $0xffff, v61;
	v34 =	vld [tilespmem:s18+$0x0]  }
0x1f5: {  	v58 =	vld [tilespmem:s18+$0xFFFFFF30];
	[tilespmem:v60+s24+$0x0] =	vst.idx.msk $0xffff, v59;
	v59 =	vadd.s32 v19, v44  }
0x1f6: {  	v61 =	vadd.s32 v23, v38;
	[tilespmem:v55+s24+$0x0] =	vst.idx.msk $0xffff, v41;
	v60 =	vld [tilespmem:s18+$0xFFFFFF70]  }
0x1f7: {  	[tilespmem:v53+s24+$0x0] =	vst.idx.msk $0xffff, v63;
	v63 =	vadd.s32 v27, v35;
	v62 =	vld [tilespmem:s18+$0xFFFFFFB0]  }
0x1f8: {  	v47 =	vadd.s32 v8, v47;
	v55 =	vld [tilespmem:s18+$0xFFFFFE80];
	[tilespmem:v57+s24+$0x0] =	vst.idx.msk $0xffff, v56  }
0x1f9: {  	v53 =	vld [tilespmem:s18+$0xFFFFFE30];
	[tilespmem:v54+s24+$0x0] =	vst.idx.msk $0xffff, v34;
	v54 =	vadd.s32 v3, v45  }
0x1fa: {  	v40 =	vadd.s32 v12, v40;
	v56 =	vld [tilespmem:s18+$0xFFFFFEC0];
	[tilespmem:v59+s24+$0x0] =	vst.idx.msk $0xffff, v58  }
0x1fb: {  	v42 =	vadd.s32 v16, v42;
	v57 =	vld [tilespmem:s18+$0xFFFFFF00];
	[tilespmem:v61+s24+$0x0] =	vst.idx.msk $0xffff, v60  }
0x1fc: {  	v59 =	vadd.s32 v20, v44;
	v58 =	vld [tilespmem:s18+$0xFFFFFF40];
	[tilespmem:v63+s24+$0x0] =	vst.idx.msk $0xffff, v62  }
0x1fd: {  	v38 =	vadd.s32 v24, v38;
	v60 =	vld [tilespmem:s18+$0xFFFFFF80];
	[tilespmem:v47+s24+$0x0] =	vst.idx.msk $0xffff, v55  }
0x1fe: {  	v35 =	vadd.s32 v28, v35;
	v61 =	vld [tilespmem:s18+$0xFFFFFFC0];
	[tilespmem:v54+s24+$0x0] =	vst.idx.msk $0xffff, v53  }
0x1ff: {  	v63 =	vadd.s32 v4, v45;
	[tilespmem:v40+s24+$0x0] =	vst.idx.msk $0xffff, v56;
	v62 =	vld [tilespmem:s18+$0xFFFFFE40]  }
0x200: {  	[tilespmem:v42+s24+$0x0] =	vst.idx.msk $0xffff, v57  }
0x201: {  	[tilespmem:v59+s24+$0x0] =	vst.idx.msk $0xffff, v58  }
0x202: {  	[tilespmem:v38+s24+$0x0] =	vst.idx.msk $0xffff, v60  }
0x203: {  	s12 =	simm.s32 $0x200;
	[tilespmem:v35+s24+$0x0] =	vst.idx.msk $0xffff, v61  }
0x204: {  	s16 =	sadd.s32 $0x0, s0;
	s15 =	simm.s32 $0x10688;
	s1 =	simm.s32 $0x10600;
	[tilespmem:v63+s24+$0x0] =	vst.idx.msk $0xffff, v62  }
.LBB2_21:
0x205: {  	[hbm4b:s16+s2] =	stream.linear.scatter [tilespmem:s1], [sflag:$0x6], $0x80, $0x38;
	[tilespmem:$0x12800] =	vst v63  }
0x206: {  	s16 =	smov.u32 s12;
	s1 =	smov.u32 s15;
	p1 =	sne.s32 s12, $0x7E00  }
.Ltmp12:
0x207: {  	s12 =	sadd.s32 $0x200, s12;
	(pc) =	sbr.rel @p1 .LBB2_21-.Ltmp12, $2  }
0x208: {  	_ =	sdelay $0x2  }
0x209: {  	s15 =	sadd.s32 $0x88, s15;
	s16 =	sadd.s32 s16, s0  }
.Ltmp13:
0x20a: {  	(pc) =	sbr.rel @p0 .LBB2_24-.Ltmp13, $2  }
0x20b: {  	_ =	sdelay $0x2  }
0x20c: {  	[hbm4b:s16+s2] =	stream.linear.scatter [tilespmem:s1], [sflag:$0x6], $0x80, $0x38;
	[tilespmem:$0x12800] =	vst v63  }
.Ltmp14:
0x20d: {  	(pc) =	sbr.rel .LBB2_2-.Ltmp14, $4  }
0x20e: {  	_ = 	snop  }
0x20f: {  	s0 =	sshrl.u32 s31, $0x2  }
0x210: {  	s30 =	sadd.s32 $0x1, s30;
	s0 =	sadd.s32 $0x380, s0  }
0x211: {  	[tilespmem:s19], [sflag:$0x4] =	stream.indirect.gather [hbm4b:s3+s11], $0x40, s0, s11, $0xb8;
	[tilespmem:$0x12800] =	vst v63  }
.LBB2_25:
0x212: {  	_ =	sfence.sel $0x180000  }
0x213: {  	[bflag:$0x0] =	sbarrier.arrive $0xFFFF  }
0x214: {  	_ =	strace $0x90000047  }
0x215: {  	s0 =	stileid.u32;
	[bflag:$0x2] =	sbarrier.arrive $0xFFFF  }
0x216: {  	p0 =	sne.s32 s0, $0x0;
	s0 =	rddreg [dreg:$0x2]  }
0x217: {  	s0 =	sadd.s32 @!p0 $0x100000, s0  }
0x218: {  	[sflag:s0] =	ssyncadd.tile.s32 @!p0 $0x1;
	_ =	shalt  }
.Lfunc_end2:
_tile_overlayer_lowered:
.L_overlay_start_2:
0x219: {  	(tag) =	ssettag $0x2  }
0x21a: {  	s0 =	rddreg [dreg:$0x0];
	s2 =	stileid.u32  }
0x21b: {  	s1 =	rddreg [dreg:$0x1];
	p0 =	sne.s32 s2, $0x0  }
0x21c: {  	s3 =	rddreg [dreg:$0x2];
	[bflag:$0x3] =	sbarrier.arrive $0xFFFF;
	s2 =	simm.s32 @!p0 $0x1C07  }
0x21d: {  	[timem:s3], [sflag:s2] =	dma.local @!p0 [hbm:s0], s1  }
0x21e: {  	s0 =	simm.s32 @!p0 $0x7  }
0x21f: {  	_ =	swait.ge @!p0 [sflag:s0], s1  }
0x220: {  	s1 =	ssub.s32 @!p0 $0x0, s1;
	[sflag:s0] =	ssyncset.done @!p0 $0x0  }
0x221: {  	[sflag:s0] =	ssyncadd.s32 @!p0 s1  }
0x222: {  	[bflag:$0x3] =	sbarrier.arrive $0xFFFF  }
0x223: {  	_ =	shalt  }

</sc_bundles>
